<compile_context>
chip_gen: v7x
topology: tpu7x:2x2x1
jax: 0.10.2.dev20260603
libtpu: 0.0.44.dev20260713+nightly
codegen_flags: <defaults>
</compile_context>

<pallas_src>
import functools

import jax
import jax.numpy as jnp
from jax import lax
from jax.experimental import pallas as pl
from jax.experimental.pallas import tpu as pltpu
from jax.experimental.pallas import tpu_sc as plsc

N = 10000
C = 256
E = 160000
K = 256
NPAD = 10240
NY = 10112
EPAD = 163840
ROWS_BLK = 128

NC = 2
NS = 16


@functools.cache
def _mesh():
    return plsc.VectorSubcoreMesh(core_axis_name="c", subcore_axis_name="s")


def _topk_body(s_ref, vals_ref, perm_ref):
    NB = NPAD // 1024
    BIG = jnp.int32(1 << 30)
    i8 = lax.broadcasted_iota(jnp.int32, (8, 128), 0)
    i128 = lax.broadcasted_iota(jnp.int32, (8, 128), 1)
    linb = [(i8 + 8 * k) * 128 + i128 for k in range(NB)]
    sb = [s_ref[8 * k:8 * (k + 1), :] for k in range(NB)]
    i256 = lax.broadcasted_iota(jnp.int32, (K,), 0)

    def merge(blocks):
        m, idx = blocks[0], linb[0]
        for k in range(1, NB):
            upd = blocks[k] > m
            m = jnp.where(upd, blocks[k], m)
            idx = jnp.where(upd, linb[k], idx)
        return m, idx

    last = i256[None, :] == (K - 1)

    def body(j, carry):
        blocks, vals, perm = carry
        m_pl, i_pl = merge(blocks)
        m = jnp.max(m_pl, axis=(0, 1), keepdims=True)
        idx = jnp.min(jnp.where(m_pl == m, i_pl, BIG),
                      axis=(0, 1), keepdims=True)
        vals = jnp.where(
            last, m, jnp.concatenate([vals[:, 1:], vals[:, :1]], axis=1))
        perm = jnp.where(
            last, idx, jnp.concatenate([perm[:, 1:], perm[:, :1]], axis=1))
        blocks = tuple(
            jnp.where(linb[k] == idx, -2.0, blocks[k]) for k in range(NB))
        return blocks, vals, perm

    _, vals, perm = lax.fori_loop(
        0, K, body,
        (tuple(sb), jnp.zeros((1, K), jnp.float32),
         jnp.zeros((1, K), jnp.int32)))
    vals_ref[...] = vals
    perm_ref[...] = perm


def _topk(spad):
    return pl.pallas_call(
        _topk_body,
        out_shape=[jax.ShapeDtypeStruct((1, K), jnp.float32),
                   jax.ShapeDtypeStruct((1, K), jnp.int32)],
    )(spad)


@functools.cache
def _gather_rows_kernel():
    @functools.partial(
        pl.kernel, mesh=_mesh(),
        out_type=jax.ShapeDtypeStruct((K, C), jnp.float32),
        scratch_types=[pltpu.VMEM((8,), jnp.int32),
                       pltpu.VMEM((8, C), jnp.float32),
                       pltpu.SemaphoreType.DMA])
    def _gather_rows(x_hbm, perm_hbm, out_hbm, idx_v, rows_v, sem):
        wid = lax.axis_index("s") * NC + lax.axis_index("c")
        base = wid * 8
        pltpu.sync_copy(perm_hbm.at[pl.ds(base, 8)], idx_v)
        pltpu.async_copy(x_hbm.at[idx_v], rows_v, sem).wait()
        pltpu.sync_copy(rows_v, out_hbm.at[pl.ds(base, 8)])
    return _gather_rows


@functools.cache
def _hist_kernel():
    @functools.partial(
        pl.kernel, mesh=_mesh(),
        out_type=jax.ShapeDtypeStruct((NC, NPAD), jnp.float32),
        scratch_types=[pltpu.VMEM((EPAD // NC // NS // 128, 128), jnp.int32),
                       pltpu.VMEM((128,), jnp.float32),
                       pltpu.VMEM((NPAD // NS,), jnp.float32),
                       pltpu.VMEM_SHARED((NPAD,), jnp.float32)])
    def _hist_sc(col2_hbm, z_hbm, ones_hbm, out_hbm, colbuf, onesv, hbuf,
                 hist):
        cid = lax.axis_index("c")
        tid = lax.axis_index("s")
        chunk = NPAD // NS
        pltpu.sync_copy(z_hbm.at[pl.ds(tid * chunk, chunk)], hbuf)
        pltpu.sync_copy(hbuf, hist.at[pl.ds(tid * chunk, chunk)])
        pltpu.sync_copy(ones_hbm, onesv)
        nb = EPAD // NC // NS // 128
        pltpu.sync_copy(col2_hbm.at[pl.ds(cid * NS * nb + tid * nb, nb)],
                        colbuf)
        plsc.subcore_barrier()

        def body(i, _):
            pltpu.sync_copy(onesv, hist.at[colbuf.at[i]], add=True)
            return 0

        lax.fori_loop(0, nb, body, 0)
        plsc.subcore_barrier()
        pltpu.sync_copy(hist.at[pl.ds(tid * chunk, chunk)], hbuf)
        pltpu.sync_copy(hbuf, out_hbm.at[cid, pl.ds(tid * chunk, chunk)])
    return _hist_sc


@functools.cache
def _scatter_kernel():
    nb = EPAD // NS // 128
    hb = nb // 2
    @functools.partial(
        pl.kernel, mesh=_mesh(),
        out_type=jax.ShapeDtypeStruct((NC, NPAD, 128), jnp.float32),
        scratch_types=[pltpu.VMEM((hb, 128), jnp.int32),
                       pltpu.VMEM((hb, 128), jnp.int32),
                       pltpu.VMEM((128, 128), jnp.float32),
                       pltpu.VMEM((128, 128), jnp.float32),
                       pltpu.VMEM_SHARED((NPAD, 128), jnp.float32),
                       pltpu.SemaphoreType.DMA,
                       pltpu.SemaphoreType.DMA])
    def _scatter_sc(y_hbm, rows_hbm, col_hbm, z_hbm, out_hbm,
                    rowbuf, colbuf, gbuf0, gbuf1, acc, sem0, sem1):
        cid = lax.axis_index("c")
        tid = lax.axis_index("s")
        rows_per_tile = NPAD // NS
        r0 = tid * rows_per_tile
        pltpu.sync_copy(z_hbm, gbuf0)
        for j in range(rows_per_tile // 128):
            pltpu.sync_copy(gbuf0, acc.at[pl.ds(r0 + j * 128, 128)])
        plsc.subcore_barrier()

        def gather(j, buf, sem):
            return pltpu.async_copy(y_hbm.at[rowbuf.at[j]], buf, sem)

        def scat(j, buf):
            pltpu.sync_copy(buf, acc.at[colbuf.at[j]], add=True)

        for h in range(2):
            base = tid * nb + h * hb
            pltpu.sync_copy(rows_hbm.at[cid, pl.ds(base, hb)], rowbuf)
            pltpu.sync_copy(col_hbm.at[pl.ds(base, hb)], colbuf)
            gather(0, gbuf0, sem0)

            def body(i, _):
                a = 2 * i
                gather(a + 1, gbuf1, sem1)
                pltpu.make_async_copy(
                    y_hbm.at[rowbuf.at[a]], gbuf0, sem0).wait()
                scat(a, gbuf0)
                gather(a + 2, gbuf0, sem0)
                pltpu.make_async_copy(
                    y_hbm.at[rowbuf.at[a + 1]], gbuf1, sem1).wait()
                scat(a + 1, gbuf1)
                return 0

            lax.fori_loop(0, hb // 2 - 1, body, 0)
            gather(hb - 1, gbuf1, sem1)
            pltpu.make_async_copy(
                y_hbm.at[rowbuf.at[hb - 2]], gbuf0, sem0).wait()
            scat(hb - 2, gbuf0)
            pltpu.make_async_copy(
                y_hbm.at[rowbuf.at[hb - 1]], gbuf1, sem1).wait()
            scat(hb - 1, gbuf1)

        plsc.subcore_barrier()
        for j in range(rows_per_tile // 128):
            pltpu.sync_copy(acc.at[pl.ds(r0 + j * 128, 128)], gbuf0)
            pltpu.sync_copy(gbuf0, out_hbm.at[cid, pl.ds(r0 + j * 128, 128)])
    return _scatter_sc


def _scale_mm_body(x_ref, xt_ref, ts_ref, wih_ref, whh_ref, bih_ref,
                   bhh_ref, h_ref, hist_ref, y_ref, os_ref, w_scr):
    @pl.when(pl.program_id(0) == 0)
    def _():
        xt = xt_ref[...] * ts_ref[...]
        dn = (((1,), (1,)), ((), ()))
        gi = lax.dot_general(xt, wih_ref[...], dn,
                             preferred_element_type=jnp.float32)
        gi = gi + bih_ref[...]
        gh = lax.dot_general(h_ref[...], whh_ref[...], dn,
                             preferred_element_type=jnp.float32)
        gh = gh + bhh_ref[...]
        r = 1.0 / (1.0 + jnp.exp(-(gi[:, :C] + gh[:, :C])))
        z = 1.0 / (1.0 + jnp.exp(-(gi[:, C:2 * C] + gh[:, C:2 * C])))
        nc = jnp.tanh(gi[:, 2 * C:] + r * gh[:, 2 * C:])
        w_scr[...] = (1.0 - z) * nc + z * h_ref[...]

    deg = hist_ref[:, 0:1] + hist_ref[:, 1:2] + 1.0
    dinv = lax.rsqrt(deg)
    xs = x_ref[...] * dinv
    xw = jnp.dot(xs, w_scr[...], preferred_element_type=jnp.float32)
    y_ref[0] = xw[:, :128]
    y_ref[1] = xw[:, 128:]
    os_ref[...] = xw * dinv


def _scale_mm(x, xt_raw, ts, wih, whh, bih2, bhh2, h, hist_t):
    grid = (NY // ROWS_BLK,)
    zero = lambda i: (0, 0)
    return pl.pallas_call(
        _scale_mm_body,
        grid=grid,
        in_specs=[pl.BlockSpec((ROWS_BLK, C), lambda i: (i, 0)),
                  pl.BlockSpec((K, C), zero),
                  pl.BlockSpec((K, 1), zero),
                  pl.BlockSpec((3 * C, C), zero),
                  pl.BlockSpec((3 * C, C), zero),
                  pl.BlockSpec((1, 3 * C), zero),
                  pl.BlockSpec((1, 3 * C), zero),
                  pl.BlockSpec((C, C), zero),
                  pl.BlockSpec((ROWS_BLK, NC), lambda i: (i, 0))],
        out_specs=[pl.BlockSpec((NC, ROWS_BLK, 128), lambda i: (0, i, 0)),
                   pl.BlockSpec((ROWS_BLK, C), lambda i: (i, 0))],
        out_shape=[jax.ShapeDtypeStruct((NC, NY, 128), jnp.float32),
                   jax.ShapeDtypeStruct((NY, C), jnp.float32)],
        scratch_shapes=[pltpu.VMEM((C, C), jnp.float32)],
    )(x, xt_raw, ts, wih, whh, bih2, bhh2, h, hist_t)


def _combine_body(s_ref, h_ref, os_ref, o_ref):
    deg = h_ref[:, 0:1] + h_ref[:, 1:2] + 1.0
    dinv = lax.rsqrt(deg)
    agg = jnp.concatenate([s_ref[0], s_ref[1]], axis=1)
    o_ref[...] = agg * dinv + os_ref[...]


def _combine(s, hist_t, oself):
    grid = (pl.cdiv(N, ROWS_BLK),)
    return pl.pallas_call(
        _combine_body,
        grid=grid,
        in_specs=[pl.BlockSpec((NC, ROWS_BLK, 128), lambda i: (0, i, 0)),
                  pl.BlockSpec((ROWS_BLK, NC), lambda i: (i, 0)),
                  pl.BlockSpec((ROWS_BLK, C), lambda i: (i, 0))],
        out_specs=pl.BlockSpec((ROWS_BLK, C), lambda i: (i, 0)),
        out_shape=jax.ShapeDtypeStruct((N, C), jnp.float32),
    )(s, hist_t, oself)


def kernel(X, edge_index, p, W_ih, W_hh, b_ih, b_hh, initial_weight):
    row = edge_index[0].astype(jnp.int32)
    col = edge_index[1].astype(jnp.int32)

    pad_e = EPAD - E
    pidx = lax.iota(jnp.int32, pad_e)
    row_pad = jnp.concatenate([row, pidx % N])
    col_pad = jnp.concatenate([col, N + pidx % (NPAD - N)])
    rows2 = jnp.stack([row_pad, row_pad + NY]).reshape(NC, EPAD // 128, 128)
    col2 = col_pad.reshape(EPAD // 128, 128)

    zeros2d = jnp.zeros((128, 128), jnp.float32)
    zeros1d = jnp.zeros((NPAD,), jnp.float32)
    ones1 = jnp.ones((128,), jnp.float32)

    score = jnp.tanh((X @ p) / (jnp.linalg.norm(p) + 1e-16))
    spad = jnp.concatenate(
        [score, jnp.full((NPAD - N,), -2.0, jnp.float32)]).reshape(
            NPAD // 128, 128)

    vals2, perm2 = _topk(spad)
    xt_raw = _gather_rows_kernel()(X, perm2.reshape(K))

    hist = _hist_kernel()(col2, zeros1d, ones1)
    hist_t = hist.T

    y, oself = _scale_mm(X, xt_raw, vals2.reshape(K, 1), W_ih, W_hh,
                         b_ih.reshape(1, 3 * C), b_hh.reshape(1, 3 * C),
                         initial_weight, hist_t)
    s = _scatter_kernel()(y.reshape(NC * NY, 128), rows2, col2, zeros2d)
    return _combine(s, hist_t, oself)

# --- scband reference (transcript-rebuilt; emitter-appended) ---
"""Pipeline reference for scband-evolve-gcnh-3109556322623 (READ-ONLY COPY).

The authoritative reference and input builder live on the scoring server;
editing this copy changes nothing except your own understanding.
"""

import jax, jax.numpy as jnp
import numpy as np

N = 10000
C = 256
E = 160000
K = 256  # ceil((in_channels / num_of_nodes) * N) = ceil(0.0256 * 10000)


def setup_inputs(seed: int = 0) -> dict:
    key = jax.random.key(seed)
    ks = jax.random.split(key, 8)
    X = jax.random.normal(ks[0], (N, C), dtype=jnp.float32)
    edge_index = jax.random.randint(ks[1], (2, E), 0, N, dtype=jnp.int32)
    scale = 1.0 / np.sqrt(C)
    p = jax.random.normal(ks[2], (C,), dtype=jnp.float32) * scale
    W_ih = jax.random.normal(ks[3], (3 * C, C), dtype=jnp.float32) * scale
    W_hh = jax.random.normal(ks[4], (3 * C, C), dtype=jnp.float32) * scale
    b_ih = jnp.zeros((3 * C,), dtype=jnp.float32)
    b_hh = jnp.zeros((3 * C,), dtype=jnp.float32)
    initial_weight = jax.random.normal(ks[5], (C, C), dtype=jnp.float32) * scale
    return {"X": X, "edge_index": edge_index, "p": p, "W_ih": W_ih,
            "W_hh": W_hh, "b_ih": b_ih, "b_hh": b_hh,
            "initial_weight": initial_weight}


def reference(X, edge_index, p, W_ih, W_hh, b_ih, b_hh, initial_weight):
    n = X.shape[0]
    # ---- TopKPooling: score = tanh(X.p / ||p||), select top-k nodes ----
    score = jnp.tanh((X @ p) / (jnp.linalg.norm(p) + 1e-16))
    top_scores, perm = jax.lax.top_k(score, K)
    x_tilde = X[perm] * top_scores[:, None]  # [K, C]
    # ---- single-step GRU: input x_tilde (batch=K), hidden = initial_weight ----
    h = initial_weight  # [C, C] (batch=K=C rows)
    gi = x_tilde @ W_ih.T + b_ih
    gh = h @ W_hh.T + b_hh
    i_r, i_z, i_n = jnp.split(gi, 3, axis=1)
    h_r, h_z, h_n = jnp.split(gh, 3, axis=1)
    r = jax.nn.sigmoid(i_r + h_r)
    z = jax.nn.sigmoid(i_z + h_z)
    ncand = jnp.tanh(i_n + r * h_n)
    W = (1.0 - z) * ncand + z * h  # evolved GCN weight [C, C]
    # ---- GCNConv with fixed W: gcn_norm with self loops ----
    row = edge_index[0]
    col = edge_index[1]
    loop = jnp.arange(n, dtype=row.dtype)
    row_f = jnp.concatenate([row, loop])
    col_f = jnp.concatenate([col, loop])
    ew = jnp.ones(row_f.shape[0], dtype=X.dtype)
    deg = jax.ops.segment_sum(ew, col_f, num_segments=n)
    dinv = jnp.where(deg > 0, deg ** -0.5, 0.0)
    norm = dinv[row_f] * ew * dinv[col_f]
    Xw = X @ W
    msgs = norm[:, None] * Xw[row_f]
    out = jax.ops.segment_sum(msgs, col_f, num_segments=n)
    return out

if __name__ == "__main__":
    import jax
    _d = setup_inputs()
    print(jax.jit(kernel)(*tuple(_d.values())))

</pallas_src>

<mosaic_0001>
#map = affine_map<(d0, d1) -> (0, 0)>
#map1 = affine_map<(d0, d1) -> (0)>
module attributes {stable_mosaic.version = 14 : i64} {
  func.func @_hist_sc(%arg0: i32, %arg1: i32, %arg2: memref<1280x128xi32, #tpu.memory_space<hbm>>, %arg3: memref<10240xf32, #tpu.memory_space<hbm>>, %arg4: memref<128xf32, #tpu.memory_space<hbm>>, %arg5: memref<2x10240xf32, #tpu.memory_space<hbm>>, %arg6: memref<40x128xi32, #tpu.memory_space<vmem>>, %arg7: memref<128xf32, #tpu.memory_space<vmem>>, %arg8: memref<640xf32, #tpu.memory_space<vmem>>, %arg9: memref<10240xf32, #tpu.memory_space<vmem_shared>>) attributes {dimension_semantics = [#tpu.dimension_semantics<core_parallel>, #tpu.dimension_semantics<subcore_parallel>], iteration_bounds = array<i64: 2, 16>, scalar_prefetch = 0 : i64, scratch_operands = 4 : i64, tpu.core_type = #tpu.core_type<sc_vector_subcore>, window_params = [{transform_indices = #map}, {transform_indices = #map1}, {transform_indices = #map1}, {transform_indices = #map}]} {
    %mul3A = arith.constant 640 : i32
    %mul3A_0 = arith.muli %arg1, %mul3A : i32
    "tpu.region"() ({
      %run_scoped3A = tpu.sem_alloc : memref<!tpu.dma_semaphore, #tpu.memory_space<semaphore_mem>>
      %dma_start3A = tpu.memref_slice %arg3[%mul3A_0] : memref<10240xf32, #tpu.memory_space<hbm>> -> memref<640xf32, #tpu.memory_space<hbm>>
      %dma_start3A_20 = tpu.memref_slice %arg3[%mul3A_0] : memref<10240xf32, #tpu.memory_space<hbm>> -> memref<640xf32, #tpu.memory_space<hbm>>
      tpu.enqueue_dma source(%dma_start3A_20 : memref<640xf32, #tpu.memory_space<hbm>>) target(%arg8 : memref<640xf32, #tpu.memory_space<vmem>>) target_semaphore(%run_scoped3A : memref<!tpu.dma_semaphore, #tpu.memory_space<semaphore_mem>>)
      %dma_wait3A = tpu.memref_slice %arg3[%mul3A_0] : memref<10240xf32, #tpu.memory_space<hbm>> -> memref<640xf32, #tpu.memory_space<hbm>>
      %dma_wait3A_21 = tpu.memref_slice %arg3[%mul3A_0] : memref<10240xf32, #tpu.memory_space<hbm>> -> memref<640xf32, #tpu.memory_space<hbm>>
      tpu.wait_dma2 semaphore(%run_scoped3A : memref<!tpu.dma_semaphore, #tpu.memory_space<semaphore_mem>>) src(%dma_wait3A_21 : memref<640xf32, #tpu.memory_space<hbm>>) dst(%arg8 : memref<640xf32, #tpu.memory_space<vmem>>)
      tpu.yield
    }) : () -> ()
    %mul3A_1 = arith.constant 640 : i32
    %mul3A_2 = arith.muli %arg1, %mul3A_1 : i32
    "tpu.region"() ({
      %run_scoped3A = tpu.sem_alloc : memref<!tpu.dma_semaphore, #tpu.memory_space<semaphore_mem>>
      %dma_start3A = tpu.memref_slice %arg9[%mul3A_2] : memref<10240xf32, #tpu.memory_space<vmem_shared>> -> memref<640xf32, #tpu.memory_space<vmem_shared>>
      %dma_start3A_20 = tpu.memref_slice %arg9[%mul3A_2] : memref<10240xf32, #tpu.memory_space<vmem_shared>> -> memref<640xf32, #tpu.memory_space<vmem_shared>>
      tpu.enqueue_dma source(%arg8 : memref<640xf32, #tpu.memory_space<vmem>>) target(%dma_start3A_20 : memref<640xf32, #tpu.memory_space<vmem_shared>>) target_semaphore(%run_scoped3A : memref<!tpu.dma_semaphore, #tpu.memory_space<semaphore_mem>>)
      %dma_wait3A = tpu.memref_slice %arg9[%mul3A_2] : memref<10240xf32, #tpu.memory_space<vmem_shared>> -> memref<640xf32, #tpu.memory_space<vmem_shared>>
      %dma_wait3A_21 = tpu.memref_slice %arg9[%mul3A_2] : memref<10240xf32, #tpu.memory_space<vmem_shared>> -> memref<640xf32, #tpu.memory_space<vmem_shared>>
      tpu.wait_dma2 semaphore(%run_scoped3A : memref<!tpu.dma_semaphore, #tpu.memory_space<semaphore_mem>>) src(%arg8 : memref<640xf32, #tpu.memory_space<vmem>>) dst(%dma_wait3A_21 : memref<640xf32, #tpu.memory_space<vmem_shared>>)
      tpu.yield
    }) : () -> ()
    "tpu.region"() ({
      %run_scoped3A = tpu.sem_alloc : memref<!tpu.dma_semaphore, #tpu.memory_space<semaphore_mem>>
      tpu.enqueue_dma source(%arg4 : memref<128xf32, #tpu.memory_space<hbm>>) target(%arg7 : memref<128xf32, #tpu.memory_space<vmem>>) target_semaphore(%run_scoped3A : memref<!tpu.dma_semaphore, #tpu.memory_space<semaphore_mem>>)
      tpu.wait_dma2 semaphore(%run_scoped3A : memref<!tpu.dma_semaphore, #tpu.memory_space<semaphore_mem>>) src(%arg4 : memref<128xf32, #tpu.memory_space<hbm>>) dst(%arg7 : memref<128xf32, #tpu.memory_space<vmem>>)
      tpu.yield
    }) : () -> ()
    %mul3A_3 = arith.constant 16 : i32
    %mul3A_4 = arith.muli %arg0, %mul3A_3 : i32
    %mul3A_5 = arith.constant 40 : i32
    %mul3A_6 = arith.muli %mul3A_4, %mul3A_5 : i32
    %mul3A_7 = arith.constant 40 : i32
    %mul3A_8 = arith.muli %arg1, %mul3A_7 : i32
    %add3A = arith.addi %mul3A_6, %mul3A_8 : i32
    "tpu.region"() ({
      %run_scoped3A = tpu.sem_alloc : memref<!tpu.dma_semaphore, #tpu.memory_space<semaphore_mem>>
      %dma_start3A = arith.constant 0 : i32
      %dma_start3A_20 = tpu.memref_slice %arg2[%add3A, %dma_start3A] : memref<1280x128xi32, #tpu.memory_space<hbm>> -> memref<40x128xi32, #tpu.memory_space<hbm>>
      %dma_start3A_21 = arith.constant 0 : i32
      %dma_start3A_22 = tpu.memref_slice %arg2[%add3A, %dma_start3A_21] : memref<1280x128xi32, #tpu.memory_space<hbm>> -> memref<40x128xi32, #tpu.memory_space<hbm>>
      tpu.enqueue_dma source(%dma_start3A_22 : memref<40x128xi32, #tpu.memory_space<hbm>>) target(%arg6 : memref<40x128xi32, #tpu.memory_space<vmem>>) target_semaphore(%run_scoped3A : memref<!tpu.dma_semaphore, #tpu.memory_space<semaphore_mem>>)
      %dma_wait3A = arith.constant 0 : i32
      %dma_wait3A_23 = tpu.memref_slice %arg2[%add3A, %dma_wait3A] : memref<1280x128xi32, #tpu.memory_space<hbm>> -> memref<40x128xi32, #tpu.memory_space<hbm>>
      %dma_wait3A_24 = arith.constant 0 : i32
      %dma_wait3A_25 = tpu.memref_slice %arg2[%add3A, %dma_wait3A_24] : memref<1280x128xi32, #tpu.memory_space<hbm>> -> memref<40x128xi32, #tpu.memory_space<hbm>>
      tpu.wait_dma2 semaphore(%run_scoped3A : memref<!tpu.dma_semaphore, #tpu.memory_space<semaphore_mem>>) src(%dma_wait3A_25 : memref<40x128xi32, #tpu.memory_space<hbm>>) dst(%arg6 : memref<40x128xi32, #tpu.memory_space<vmem>>)
      tpu.yield
    }) : () -> ()
    %barrier3A = arith.constant 0 : index
    tpu.barrier barrier_id(%barrier3A)
    %scan3A = arith.constant 0 : i32
    %scan3A_9 = arith.constant 0 : i32
    %scan3A_10 = arith.constant 40 : i32
    %scan3A_11 = arith.addi %scan3A_9, %scan3A_10 : i32
    %scan3A_12 = arith.constant 1 : i32
    %scan3A_13 = scf.for %scan3A_20 = %scan3A_9 to %scan3A_11 step %scan3A_12 iter_args(%scan3A_21 = %scan3A) -> (i32)  : i32 {
      "tpu.region"() ({
        %run_scoped3A = tpu.sem_alloc : memref<!tpu.dma_semaphore, #tpu.memory_space<semaphore_mem>>
        %dma_start3A = arith.constant 0 : i32
        %dma_start3A_23 = tpu.memref_slice %arg6[%scan3A_20, %dma_start3A] : memref<40x128xi32, #tpu.memory_space<vmem>> -> memref<1x128xi32, #tpu.memory_space<vmem>>
        %dma_start3A_24 = tpu.memref_squeeze %dma_start3A_23 : memref<1x128xi32, #tpu.memory_space<vmem>> -> memref<128xi32, #tpu.memory_space<vmem>>
        %dma_start3A_25 = arith.constant 0 : i32
        %dma_start3A_26 = tpu.memref_slice %arg9[%dma_start3A_25] : memref<10240xf32, #tpu.memory_space<vmem_shared>> -> memref<10240xf32, #tpu.memory_space<vmem_shared>>
        tpu.enqueue_indirect_dma source(%arg7 : memref<128xf32, #tpu.memory_space<vmem>>) target(%dma_start3A_26 : memref<10240xf32, #tpu.memory_space<vmem_shared>>) offsets(%dma_start3A_24 : memref<128xi32, #tpu.memory_space<vmem>>) semaphore(%run_scoped3A : memref<!tpu.dma_semaphore, #tpu.memory_space<semaphore_mem>>) {add = true}
        %dma_wait3A = arith.constant 0 : i32
        %dma_wait3A_27 = tpu.memref_slice %arg6[%scan3A_20, %dma_wait3A] : memref<40x128xi32, #tpu.memory_space<vmem>> -> memref<1x128xi32, #tpu.memory_space<vmem>>
        %dma_wait3A_28 = tpu.memref_squeeze %dma_wait3A_27 : memref<1x128xi32, #tpu.memory_space<vmem>> -> memref<128xi32, #tpu.memory_space<vmem>>
        %dma_wait3A_29 = arith.constant 0 : i32
        %dma_wait3A_30 = tpu.memref_slice %arg9[%dma_wait3A_29] : memref<10240xf32, #tpu.memory_space<vmem_shared>> -> memref<10240xf32, #tpu.memory_space<vmem_shared>>
        tpu.wait_indirect_dma semaphore(%run_scoped3A : memref<!tpu.dma_semaphore, #tpu.memory_space<semaphore_mem>>) src(%arg7 : memref<128xf32, #tpu.memory_space<vmem>>) dst(%dma_wait3A_30 : memref<10240xf32, #tpu.memory_space<vmem_shared>>)
        tpu.yield
      }) : () -> ()
      %scan3A_22 = arith.constant 0 : i32
      scf.yield %scan3A_22 : i32
    }
    %scan3A_14 = arith.constant 40 : i32
    %barrier3A_15 = arith.constant 0 : index
    tpu.barrier barrier_id(%barrier3A_15)
    %mul3A_16 = arith.constant 640 : i32
    %mul3A_17 = arith.muli %arg1, %mul3A_16 : i32
    "tpu.region"() ({
      %run_scoped3A = tpu.sem_alloc : memref<!tpu.dma_semaphore, #tpu.memory_space<semaphore_mem>>
      %dma_start3A = tpu.memref_slice %arg9[%mul3A_17] : memref<10240xf32, #tpu.memory_space<vmem_shared>> -> memref<640xf32, #tpu.memory_space<vmem_shared>>
      %dma_start3A_20 = tpu.memref_slice %arg9[%mul3A_17] : memref<10240xf32, #tpu.memory_space<vmem_shared>> -> memref<640xf32, #tpu.memory_space<vmem_shared>>
      tpu.enqueue_dma source(%dma_start3A_20 : memref<640xf32, #tpu.memory_space<vmem_shared>>) target(%arg8 : memref<640xf32, #tpu.memory_space<vmem>>) target_semaphore(%run_scoped3A : memref<!tpu.dma_semaphore, #tpu.memory_space<semaphore_mem>>)
      %dma_wait3A = tpu.memref_slice %arg9[%mul3A_17] : memref<10240xf32, #tpu.memory_space<vmem_shared>> -> memref<640xf32, #tpu.memory_space<vmem_shared>>
      %dma_wait3A_21 = tpu.memref_slice %arg9[%mul3A_17] : memref<10240xf32, #tpu.memory_space<vmem_shared>> -> memref<640xf32, #tpu.memory_space<vmem_shared>>
      tpu.wait_dma2 semaphore(%run_scoped3A : memref<!tpu.dma_semaphore, #tpu.memory_space<semaphore_mem>>) src(%dma_wait3A_21 : memref<640xf32, #tpu.memory_space<vmem_shared>>) dst(%arg8 : memref<640xf32, #tpu.memory_space<vmem>>)
      tpu.yield
    }) : () -> ()
    %mul3A_18 = arith.constant 640 : i32
    %mul3A_19 = arith.muli %arg1, %mul3A_18 : i32
    "tpu.region"() ({
      %run_scoped3A = tpu.sem_alloc : memref<!tpu.dma_semaphore, #tpu.memory_space<semaphore_mem>>
      %dma_start3A = tpu.memref_slice %arg5[%arg0, %mul3A_19] : memref<2x10240xf32, #tpu.memory_space<hbm>> -> memref<1x640xf32, #tpu.memory_space<hbm>>
      %dma_start3A_20 = tpu.memref_squeeze %dma_start3A : memref<1x640xf32, #tpu.memory_space<hbm>> -> memref<640xf32, #tpu.memory_space<hbm>>
      %dma_start3A_21 = tpu.memref_slice %arg5[%arg0, %mul3A_19] : memref<2x10240xf32, #tpu.memory_space<hbm>> -> memref<1x640xf32, #tpu.memory_space<hbm>>
      %dma_start3A_22 = tpu.memref_squeeze %dma_start3A_21 : memref<1x640xf32, #tpu.memory_space<hbm>> -> memref<640xf32, #tpu.memory_space<hbm>>
      tpu.enqueue_dma source(%arg8 : memref<640xf32, #tpu.memory_space<vmem>>) target(%dma_start3A_22 : memref<640xf32, #tpu.memory_space<hbm>>) target_semaphore(%run_scoped3A : memref<!tpu.dma_semaphore, #tpu.memory_space<semaphore_mem>>)
      %dma_wait3A = tpu.memref_slice %arg5[%arg0, %mul3A_19] : memref<2x10240xf32, #tpu.memory_space<hbm>> -> memref<1x640xf32, #tpu.memory_space<hbm>>
      %dma_wait3A_23 = tpu.memref_squeeze %dma_wait3A : memref<1x640xf32, #tpu.memory_space<hbm>> -> memref<640xf32, #tpu.memory_space<hbm>>
      %dma_wait3A_24 = tpu.memref_slice %arg5[%arg0, %mul3A_19] : memref<2x10240xf32, #tpu.memory_space<hbm>> -> memref<1x640xf32, #tpu.memory_space<hbm>>
      %dma_wait3A_25 = tpu.memref_squeeze %dma_wait3A_24 : memref<1x640xf32, #tpu.memory_space<hbm>> -> memref<640xf32, #tpu.memory_space<hbm>>
      tpu.wait_dma2 semaphore(%run_scoped3A : memref<!tpu.dma_semaphore, #tpu.memory_space<semaphore_mem>>) src(%arg8 : memref<640xf32, #tpu.memory_space<vmem>>) dst(%dma_wait3A_25 : memref<640xf32, #tpu.memory_space<hbm>>)
      tpu.yield
    }) : () -> ()
    return
  }
}

#map = affine_map<(d0, d1) -> (0, 0)>
#map1 = affine_map<(d0, d1) -> (0)>
module attributes {stable_mosaic.version = 14 : i64} {
  func.func @_gather_rows(%arg0: i32, %arg1: i32, %arg2: memref<10000x256xf32, #tpu.memory_space<hbm>>, %arg3: memref<256xi32, #tpu.memory_space<hbm>>, %arg4: memref<256x256xf32, #tpu.memory_space<hbm>>, %arg5: memref<8xi32, #tpu.memory_space<vmem>>, %arg6: memref<8x256xf32, #tpu.memory_space<vmem>>, %arg7: memref<!tpu.dma_semaphore, #tpu.memory_space<semaphore_mem>>) attributes {dimension_semantics = [#tpu.dimension_semantics<core_parallel>, #tpu.dimension_semantics<subcore_parallel>], iteration_bounds = array<i64: 2, 16>, scalar_prefetch = 0 : i64, scratch_operands = 3 : i64, tpu.core_type = #tpu.core_type<sc_vector_subcore>, window_params = [{transform_indices = #map}, {transform_indices = #map1}, {transform_indices = #map}]} {
    %mul3A = arith.constant 2 : i32
    %mul3A_0 = arith.muli %arg1, %mul3A : i32
    %add3A = arith.addi %mul3A_0, %arg0 : i32
    %mul3A_1 = arith.constant 8 : i32
    %mul3A_2 = arith.muli %add3A, %mul3A_1 : i32
    "tpu.region"() ({
      %run_scoped3A = tpu.sem_alloc : memref<!tpu.dma_semaphore, #tpu.memory_space<semaphore_mem>>
      %dma_start3A_7 = tpu.memref_slice %arg3[%mul3A_2] : memref<256xi32, #tpu.memory_space<hbm>> -> memref<8xi32, #tpu.memory_space<hbm>>
      %dma_start3A_8 = tpu.memref_slice %arg3[%mul3A_2] : memref<256xi32, #tpu.memory_space<hbm>> -> memref<8xi32, #tpu.memory_space<hbm>>
      tpu.enqueue_dma source(%dma_start3A_8 : memref<8xi32, #tpu.memory_space<hbm>>) target(%arg5 : memref<8xi32, #tpu.memory_space<vmem>>) target_semaphore(%run_scoped3A : memref<!tpu.dma_semaphore, #tpu.memory_space<semaphore_mem>>)
      %dma_wait3A_9 = tpu.memref_slice %arg3[%mul3A_2] : memref<256xi32, #tpu.memory_space<hbm>> -> memref<8xi32, #tpu.memory_space<hbm>>
      %dma_wait3A_10 = tpu.memref_slice %arg3[%mul3A_2] : memref<256xi32, #tpu.memory_space<hbm>> -> memref<8xi32, #tpu.memory_space<hbm>>
      tpu.wait_dma2 semaphore(%run_scoped3A : memref<!tpu.dma_semaphore, #tpu.memory_space<semaphore_mem>>) src(%dma_wait3A_10 : memref<8xi32, #tpu.memory_space<hbm>>) dst(%arg5 : memref<8xi32, #tpu.memory_space<vmem>>)
      tpu.yield
    }) : () -> ()
    %dma_start3A = arith.constant 0 : i32
    %dma_start3A_3 = arith.constant 0 : i32
    %dma_start3A_4 = tpu.memref_slice %arg2[%dma_start3A, %dma_start3A_3] : memref<10000x256xf32, #tpu.memory_space<hbm>> -> memref<10000x256xf32, #tpu.memory_space<hbm>>
    tpu.enqueue_indirect_dma source(%dma_start3A_4 : memref<10000x256xf32, #tpu.memory_space<hbm>>) target(%arg6 : memref<8x256xf32, #tpu.memory_space<vmem>>) offsets(%arg5 : memref<8xi32, #tpu.memory_space<vmem>>) semaphore(%arg7 : memref<!tpu.dma_semaphore, #tpu.memory_space<semaphore_mem>>)
    %dma_wait3A = arith.constant 0 : i32
    %dma_wait3A_5 = arith.constant 0 : i32
    %dma_wait3A_6 = tpu.memref_slice %arg2[%dma_wait3A, %dma_wait3A_5] : memref<10000x256xf32, #tpu.memory_space<hbm>> -> memref<10000x256xf32, #tpu.memory_space<hbm>>
    tpu.wait_indirect_dma semaphore(%arg7 : memref<!tpu.dma_semaphore, #tpu.memory_space<semaphore_mem>>) src(%dma_wait3A_6 : memref<10000x256xf32, #tpu.memory_space<hbm>>) dst(%arg6 : memref<8x256xf32, #tpu.memory_space<vmem>>)
    "tpu.region"() ({
      %run_scoped3A = tpu.sem_alloc : memref<!tpu.dma_semaphore, #tpu.memory_space<semaphore_mem>>
      %dma_start3A_7 = arith.constant 0 : i32
      %dma_start3A_8 = tpu.memref_slice %arg4[%mul3A_2, %dma_start3A_7] : memref<256x256xf32, #tpu.memory_space<hbm>> -> memref<8x256xf32, #tpu.memory_space<hbm>>
      %dma_start3A_9 = arith.constant 0 : i32
      %dma_start3A_10 = tpu.memref_slice %arg4[%mul3A_2, %dma_start3A_9] : memref<256x256xf32, #tpu.memory_space<hbm>> -> memref<8x256xf32, #tpu.memory_space<hbm>>
      tpu.enqueue_dma source(%arg6 : memref<8x256xf32, #tpu.memory_space<vmem>>) target(%dma_start3A_10 : memref<8x256xf32, #tpu.memory_space<hbm>>) target_semaphore(%run_scoped3A : memref<!tpu.dma_semaphore, #tpu.memory_space<semaphore_mem>>)
      %dma_wait3A_11 = arith.constant 0 : i32
      %dma_wait3A_12 = tpu.memref_slice %arg4[%mul3A_2, %dma_wait3A_11] : memref<256x256xf32, #tpu.memory_space<hbm>> -> memref<8x256xf32, #tpu.memory_space<hbm>>
      %dma_wait3A_13 = arith.constant 0 : i32
      %dma_wait3A_14 = tpu.memref_slice %arg4[%mul3A_2, %dma_wait3A_13] : memref<256x256xf32, #tpu.memory_space<hbm>> -> memref<8x256xf32, #tpu.memory_space<hbm>>
      tpu.wait_dma2 semaphore(%run_scoped3A : memref<!tpu.dma_semaphore, #tpu.memory_space<semaphore_mem>>) src(%arg6 : memref<8x256xf32, #tpu.memory_space<vmem>>) dst(%dma_wait3A_14 : memref<8x256xf32, #tpu.memory_space<hbm>>)
      tpu.yield
    }) : () -> ()
    return
  }
}

#map = affine_map<(d0, d1) -> (0, 0)>
#map1 = affine_map<(d0, d1) -> (0, 0, 0)>
module attributes {stable_mosaic.version = 14 : i64} {
  func.func @_scatter_sc(%arg0: i32, %arg1: i32, %arg2: memref<20224x128xf32, #tpu.memory_space<hbm>>, %arg3: memref<2x1280x128xi32, #tpu.memory_space<hbm>>, %arg4: memref<1280x128xi32, #tpu.memory_space<hbm>>, %arg5: memref<128x128xf32, #tpu.memory_space<hbm>>, %arg6: memref<2x10240x128xf32, #tpu.memory_space<hbm>>, %arg7: memref<40x128xi32, #tpu.memory_space<vmem>>, %arg8: memref<40x128xi32, #tpu.memory_space<vmem>>, %arg9: memref<128x128xf32, #tpu.memory_space<vmem>>, %arg10: memref<128x128xf32, #tpu.memory_space<vmem>>, %arg11: memref<10240x128xf32, #tpu.memory_space<vmem_shared>>, %arg12: memref<!tpu.dma_semaphore, #tpu.memory_space<semaphore_mem>>, %arg13: memref<!tpu.dma_semaphore, #tpu.memory_space<semaphore_mem>>) attributes {dimension_semantics = [#tpu.dimension_semantics<core_parallel>, #tpu.dimension_semantics<subcore_parallel>], iteration_bounds = array<i64: 2, 16>, scalar_prefetch = 0 : i64, scratch_operands = 7 : i64, tpu.core_type = #tpu.core_type<sc_vector_subcore>, window_params = [{transform_indices = #map}, {transform_indices = #map1}, {transform_indices = #map}, {transform_indices = #map}, {transform_indices = #map1}]} {
    %mul3A = arith.constant 640 : i32
    %mul3A_0 = arith.muli %arg1, %mul3A : i32
    "tpu.region"() ({
      %run_scoped3A_109 = tpu.sem_alloc : memref<!tpu.dma_semaphore, #tpu.memory_space<semaphore_mem>>
      tpu.enqueue_dma source(%arg5 : memref<128x128xf32, #tpu.memory_space<hbm>>) target(%arg9 : memref<128x128xf32, #tpu.memory_space<vmem>>) target_semaphore(%run_scoped3A_109 : memref<!tpu.dma_semaphore, #tpu.memory_space<semaphore_mem>>)
      tpu.wait_dma2 semaphore(%run_scoped3A_109 : memref<!tpu.dma_semaphore, #tpu.memory_space<semaphore_mem>>) src(%arg5 : memref<128x128xf32, #tpu.memory_space<hbm>>) dst(%arg9 : memref<128x128xf32, #tpu.memory_space<vmem>>)
      tpu.yield
    }) : () -> ()
    %add3A = arith.constant 0 : i32
    %add3A_1 = arith.addi %mul3A_0, %add3A : i32
    "tpu.region"() ({
      %run_scoped3A_109 = tpu.sem_alloc : memref<!tpu.dma_semaphore, #tpu.memory_space<semaphore_mem>>
      %dma_start3A_110 = arith.constant 0 : i32
      %dma_start3A_111 = tpu.memref_slice %arg11[%add3A_1, %dma_start3A_110] : memref<10240x128xf32, #tpu.memory_space<vmem_shared>> -> memref<128x128xf32, #tpu.memory_space<vmem_shared>>
      %dma_start3A_112 = arith.constant 0 : i32
      %dma_start3A_113 = tpu.memref_slice %arg11[%add3A_1, %dma_start3A_112] : memref<10240x128xf32, #tpu.memory_space<vmem_shared>> -> memref<128x128xf32, #tpu.memory_space<vmem_shared>>
      tpu.enqueue_dma source(%arg9 : memref<128x128xf32, #tpu.memory_space<vmem>>) target(%dma_start3A_113 : memref<128x128xf32, #tpu.memory_space<vmem_shared>>) target_semaphore(%run_scoped3A_109 : memref<!tpu.dma_semaphore, #tpu.memory_space<semaphore_mem>>)
      %dma_wait3A_114 = arith.constant 0 : i32
      %dma_wait3A_115 = tpu.memref_slice %arg11[%add3A_1, %dma_wait3A_114] : memref<10240x128xf32, #tpu.memory_space<vmem_shared>> -> memref<128x128xf32, #tpu.memory_space<vmem_shared>>
      %dma_wait3A_116 = arith.constant 0 : i32
      %dma_wait3A_117 = tpu.memref_slice %arg11[%add3A_1, %dma_wait3A_116] : memref<10240x128xf32, #tpu.memory_space<vmem_shared>> -> memref<128x128xf32, #tpu.memory_space<vmem_shared>>
      tpu.wait_dma2 semaphore(%run_scoped3A_109 : memref<!tpu.dma_semaphore, #tpu.memory_space<semaphore_mem>>) src(%arg9 : memref<128x128xf32, #tpu.memory_space<vmem>>) dst(%dma_wait3A_117 : memref<128x128xf32, #tpu.memory_space<vmem_shared>>)
      tpu.yield
    }) : () -> ()
    %add3A_2 = arith.constant 128 : i32
    %add3A_3 = arith.addi %mul3A_0, %add3A_2 : i32
    "tpu.region"() ({
      %run_scoped3A_109 = tpu.sem_alloc : memref<!tpu.dma_semaphore, #tpu.memory_space<semaphore_mem>>
      %dma_start3A_110 = arith.constant 0 : i32
      %dma_start3A_111 = tpu.memref_slice %arg11[%add3A_3, %dma_start3A_110] : memref<10240x128xf32, #tpu.memory_space<vmem_shared>> -> memref<128x128xf32, #tpu.memory_space<vmem_shared>>
      %dma_start3A_112 = arith.constant 0 : i32
      %dma_start3A_113 = tpu.memref_slice %arg11[%add3A_3, %dma_start3A_112] : memref<10240x128xf32, #tpu.memory_space<vmem_shared>> -> memref<128x128xf32, #tpu.memory_space<vmem_shared>>
      tpu.enqueue_dma source(%arg9 : memref<128x128xf32, #tpu.memory_space<vmem>>) target(%dma_start3A_113 : memref<128x128xf32, #tpu.memory_space<vmem_shared>>) target_semaphore(%run_scoped3A_109 : memref<!tpu.dma_semaphore, #tpu.memory_space<semaphore_mem>>)
      %dma_wait3A_114 = arith.constant 0 : i32
      %dma_wait3A_115 = tpu.memref_slice %arg11[%add3A_3, %dma_wait3A_114] : memref<10240x128xf32, #tpu.memory_space<vmem_shared>> -> memref<128x128xf32, #tpu.memory_space<vmem_shared>>
      %dma_wait3A_116 = arith.constant 0 : i32
      %dma_wait3A_117 = tpu.memref_slice %arg11[%add3A_3, %dma_wait3A_116] : memref<10240x128xf32, #tpu.memory_space<vmem_shared>> -> memref<128x128xf32, #tpu.memory_space<vmem_shared>>
      tpu.wait_dma2 semaphore(%run_scoped3A_109 : memref<!tpu.dma_semaphore, #tpu.memory_space<semaphore_mem>>) src(%arg9 : memref<128x128xf32, #tpu.memory_space<vmem>>) dst(%dma_wait3A_117 : memref<128x128xf32, #tpu.memory_space<vmem_shared>>)
      tpu.yield
    }) : () -> ()
    %add3A_4 = arith.constant 256 : i32
    %add3A_5 = arith.addi %mul3A_0, %add3A_4 : i32
    "tpu.region"() ({
      %run_scoped3A_109 = tpu.sem_alloc : memref<!tpu.dma_semaphore, #tpu.memory_space<semaphore_mem>>
      %dma_start3A_110 = arith.constant 0 : i32
      %dma_start3A_111 = tpu.memref_slice %arg11[%add3A_5, %dma_start3A_110] : memref<10240x128xf32, #tpu.memory_space<vmem_shared>> -> memref<128x128xf32, #tpu.memory_space<vmem_shared>>
      %dma_start3A_112 = arith.constant 0 : i32
      %dma_start3A_113 = tpu.memref_slice %arg11[%add3A_5, %dma_start3A_112] : memref<10240x128xf32, #tpu.memory_space<vmem_shared>> -> memref<128x128xf32, #tpu.memory_space<vmem_shared>>
      tpu.enqueue_dma source(%arg9 : memref<128x128xf32, #tpu.memory_space<vmem>>) target(%dma_start3A_113 : memref<128x128xf32, #tpu.memory_space<vmem_shared>>) target_semaphore(%run_scoped3A_109 : memref<!tpu.dma_semaphore, #tpu.memory_space<semaphore_mem>>)
      %dma_wait3A_114 = arith.constant 0 : i32
      %dma_wait3A_115 = tpu.memref_slice %arg11[%add3A_5, %dma_wait3A_114] : memref<10240x128xf32, #tpu.memory_space<vmem_shared>> -> memref<128x128xf32, #tpu.memory_space<vmem_shared>>
      %dma_wait3A_116 = arith.constant 0 : i32
      %dma_wait3A_117 = tpu.memref_slice %arg11[%add3A_5, %dma_wait3A_116] : memref<10240x128xf32, #tpu.memory_space<vmem_shared>> -> memref<128x128xf32, #tpu.memory_space<vmem_shared>>
      tpu.wait_dma2 semaphore(%run_scoped3A_109 : memref<!tpu.dma_semaphore, #tpu.memory_space<semaphore_mem>>) src(%arg9 : memref<128x128xf32, #tpu.memory_space<vmem>>) dst(%dma_wait3A_117 : memref<128x128xf32, #tpu.memory_space<vmem_shared>>)
      tpu.yield
    }) : () -> ()
    %add3A_6 = arith.constant 384 : i32
    %add3A_7 = arith.addi %mul3A_0, %add3A_6 : i32
    "tpu.region"() ({
      %run_scoped3A_109 = tpu.sem_alloc : memref<!tpu.dma_semaphore, #tpu.memory_space<semaphore_mem>>
      %dma_start3A_110 = arith.constant 0 : i32
      %dma_start3A_111 = tpu.memref_slice %arg11[%add3A_7, %dma_start3A_110] : memref<10240x128xf32, #tpu.memory_space<vmem_shared>> -> memref<128x128xf32, #tpu.memory_space<vmem_shared>>
      %dma_start3A_112 = arith.constant 0 : i32
      %dma_start3A_113 = tpu.memref_slice %arg11[%add3A_7, %dma_start3A_112] : memref<10240x128xf32, #tpu.memory_space<vmem_shared>> -> memref<128x128xf32, #tpu.memory_space<vmem_shared>>
      tpu.enqueue_dma source(%arg9 : memref<128x128xf32, #tpu.memory_space<vmem>>) target(%dma_start3A_113 : memref<128x128xf32, #tpu.memory_space<vmem_shared>>) target_semaphore(%run_scoped3A_109 : memref<!tpu.dma_semaphore, #tpu.memory_space<semaphore_mem>>)
      %dma_wait3A_114 = arith.constant 0 : i32
      %dma_wait3A_115 = tpu.memref_slice %arg11[%add3A_7, %dma_wait3A_114] : memref<10240x128xf32, #tpu.memory_space<vmem_shared>> -> memref<128x128xf32, #tpu.memory_space<vmem_shared>>
      %dma_wait3A_116 = arith.constant 0 : i32
      %dma_wait3A_117 = tpu.memref_slice %arg11[%add3A_7, %dma_wait3A_116] : memref<10240x128xf32, #tpu.memory_space<vmem_shared>> -> memref<128x128xf32, #tpu.memory_space<vmem_shared>>
      tpu.wait_dma2 semaphore(%run_scoped3A_109 : memref<!tpu.dma_semaphore, #tpu.memory_space<semaphore_mem>>) src(%arg9 : memref<128x128xf32, #tpu.memory_space<vmem>>) dst(%dma_wait3A_117 : memref<128x128xf32, #tpu.memory_space<vmem_shared>>)
      tpu.yield
    }) : () -> ()
    %add3A_8 = arith.constant 512 : i32
    %add3A_9 = arith.addi %mul3A_0, %add3A_8 : i32
    "tpu.region"() ({
      %run_scoped3A_109 = tpu.sem_alloc : memref<!tpu.dma_semaphore, #tpu.memory_space<semaphore_mem>>
      %dma_start3A_110 = arith.constant 0 : i32
      %dma_start3A_111 = tpu.memref_slice %arg11[%add3A_9, %dma_start3A_110] : memref<10240x128xf32, #tpu.memory_space<vmem_shared>> -> memref<128x128xf32, #tpu.memory_space<vmem_shared>>
      %dma_start3A_112 = arith.constant 0 : i32
      %dma_start3A_113 = tpu.memref_slice %arg11[%add3A_9, %dma_start3A_112] : memref<10240x128xf32, #tpu.memory_space<vmem_shared>> -> memref<128x128xf32, #tpu.memory_space<vmem_shared>>
      tpu.enqueue_dma source(%arg9 : memref<128x128xf32, #tpu.memory_space<vmem>>) target(%dma_start3A_113 : memref<128x128xf32, #tpu.memory_space<vmem_shared>>) target_semaphore(%run_scoped3A_109 : memref<!tpu.dma_semaphore, #tpu.memory_space<semaphore_mem>>)
      %dma_wait3A_114 = arith.constant 0 : i32
      %dma_wait3A_115 = tpu.memref_slice %arg11[%add3A_9, %dma_wait3A_114] : memref<10240x128xf32, #tpu.memory_space<vmem_shared>> -> memref<128x128xf32, #tpu.memory_space<vmem_shared>>
      %dma_wait3A_116 = arith.constant 0 : i32
      %dma_wait3A_117 = tpu.memref_slice %arg11[%add3A_9, %dma_wait3A_116] : memref<10240x128xf32, #tpu.memory_space<vmem_shared>> -> memref<128x128xf32, #tpu.memory_space<vmem_shared>>
      tpu.wait_dma2 semaphore(%run_scoped3A_109 : memref<!tpu.dma_semaphore, #tpu.memory_space<semaphore_mem>>) src(%arg9 : memref<128x128xf32, #tpu.memory_space<vmem>>) dst(%dma_wait3A_117 : memref<128x128xf32, #tpu.memory_space<vmem_shared>>)
      tpu.yield
    }) : () -> ()
    %barrier3A = arith.constant 0 : index
    tpu.barrier barrier_id(%barrier3A)
    %mul3A_10 = arith.constant 80 : i32
    %mul3A_11 = arith.muli %arg1, %mul3A_10 : i32
    %add3A_12 = arith.constant 0 : i32
    %add3A_13 = arith.addi %mul3A_11, %add3A_12 : i32
    "tpu.region"() ({
      %run_scoped3A_109 = tpu.sem_alloc : memref<!tpu.dma_semaphore, #tpu.memory_space<semaphore_mem>>
      %dma_start3A_110 = arith.constant 0 : i32
      %dma_start3A_111 = tpu.memref_slice %arg3[%arg0, %add3A_13, %dma_start3A_110] : memref<2x1280x128xi32, #tpu.memory_space<hbm>> -> memref<1x40x128xi32, #tpu.memory_space<hbm>>
      %dma_start3A_112 = tpu.memref_squeeze %dma_start3A_111 : memref<1x40x128xi32, #tpu.memory_space<hbm>> -> memref<40x128xi32, #tpu.memory_space<hbm>>
      %dma_start3A_113 = arith.constant 0 : i32
      %dma_start3A_114 = tpu.memref_slice %arg3[%arg0, %add3A_13, %dma_start3A_113] : memref<2x1280x128xi32, #tpu.memory_space<hbm>> -> memref<1x40x128xi32, #tpu.memory_space<hbm>>
      %dma_start3A_115 = tpu.memref_squeeze %dma_start3A_114 : memref<1x40x128xi32, #tpu.memory_space<hbm>> -> memref<40x128xi32, #tpu.memory_space<hbm>>
      tpu.enqueue_dma source(%dma_start3A_115 : memref<40x128xi32, #tpu.memory_space<hbm>>) target(%arg7 : memref<40x128xi32, #tpu.memory_space<vmem>>) target_semaphore(%run_scoped3A_109 : memref<!tpu.dma_semaphore, #tpu.memory_space<semaphore_mem>>)
      %dma_wait3A_116 = arith.constant 0 : i32
      %dma_wait3A_117 = tpu.memref_slice %arg3[%arg0, %add3A_13, %dma_wait3A_116] : memref<2x1280x128xi32, #tpu.memory_space<hbm>> -> memref<1x40x128xi32, #tpu.memory_space<hbm>>
      %dma_wait3A_118 = tpu.memref_squeeze %dma_wait3A_117 : memref<1x40x128xi32, #tpu.memory_space<hbm>> -> memref<40x128xi32, #tpu.memory_space<hbm>>
      %dma_wait3A_119 = arith.constant 0 : i32
      %dma_wait3A_120 = tpu.memref_slice %arg3[%arg0, %add3A_13, %dma_wait3A_119] : memref<2x1280x128xi32, #tpu.memory_space<hbm>> -> memref<1x40x128xi32, #tpu.memory_space<hbm>>
      %dma_wait3A_121 = tpu.memref_squeeze %dma_wait3A_120 : memref<1x40x128xi32, #tpu.memory_space<hbm>> -> memref<40x128xi32, #tpu.memory_space<hbm>>
      tpu.wait_dma2 semaphore(%run_scoped3A_109 : memref<!tpu.dma_semaphore, #tpu.memory_space<semaphore_mem>>) src(%dma_wait3A_121 : memref<40x128xi32, #tpu.memory_space<hbm>>) dst(%arg7 : memref<40x128xi32, #tpu.memory_space<vmem>>)
      tpu.yield
    }) : () -> ()
    "tpu.region"() ({
      %run_scoped3A_109 = tpu.sem_alloc : memref<!tpu.dma_semaphore, #tpu.memory_space<semaphore_mem>>
      %dma_start3A_110 = arith.constant 0 : i32
      %dma_start3A_111 = tpu.memref_slice %arg4[%add3A_13, %dma_start3A_110] : memref<1280x128xi32, #tpu.memory_space<hbm>> -> memref<40x128xi32, #tpu.memory_space<hbm>>
      %dma_start3A_112 = arith.constant 0 : i32
      %dma_start3A_113 = tpu.memref_slice %arg4[%add3A_13, %dma_start3A_112] : memref<1280x128xi32, #tpu.memory_space<hbm>> -> memref<40x128xi32, #tpu.memory_space<hbm>>
      tpu.enqueue_dma source(%dma_start3A_113 : memref<40x128xi32, #tpu.memory_space<hbm>>) target(%arg8 : memref<40x128xi32, #tpu.memory_space<vmem>>) target_semaphore(%run_scoped3A_109 : memref<!tpu.dma_semaphore, #tpu.memory_space<semaphore_mem>>)
      %dma_wait3A_114 = arith.constant 0 : i32
      %dma_wait3A_115 = tpu.memref_slice %arg4[%add3A_13, %dma_wait3A_114] : memref<1280x128xi32, #tpu.memory_space<hbm>> -> memref<40x128xi32, #tpu.memory_space<hbm>>
      %dma_wait3A_116 = arith.constant 0 : i32
      %dma_wait3A_117 = tpu.memref_slice %arg4[%add3A_13, %dma_wait3A_116] : memref<1280x128xi32, #tpu.memory_space<hbm>> -> memref<40x128xi32, #tpu.memory_space<hbm>>
      tpu.wait_dma2 semaphore(%run_scoped3A_109 : memref<!tpu.dma_semaphore, #tpu.memory_space<semaphore_mem>>) src(%dma_wait3A_117 : memref<40x128xi32, #tpu.memory_space<hbm>>) dst(%arg8 : memref<40x128xi32, #tpu.memory_space<vmem>>)
      tpu.yield
    }) : () -> ()
    %dma_start3A = arith.constant 0 : i32
    %dma_start3A_14 = arith.constant 0 : i32
    %dma_start3A_15 = tpu.memref_slice %arg7[%dma_start3A, %dma_start3A_14] : memref<40x128xi32, #tpu.memory_space<vmem>> -> memref<1x128xi32, #tpu.memory_space<vmem>>
    %dma_start3A_16 = tpu.memref_squeeze %dma_start3A_15 : memref<1x128xi32, #tpu.memory_space<vmem>> -> memref<128xi32, #tpu.memory_space<vmem>>
    %dma_start3A_17 = arith.constant 0 : i32
    %dma_start3A_18 = arith.constant 0 : i32
    %dma_start3A_19 = tpu.memref_slice %arg2[%dma_start3A_17, %dma_start3A_18] : memref<20224x128xf32, #tpu.memory_space<hbm>> -> memref<20224x128xf32, #tpu.memory_space<hbm>>
    tpu.enqueue_indirect_dma source(%dma_start3A_19 : memref<20224x128xf32, #tpu.memory_space<hbm>>) target(%arg9 : memref<128x128xf32, #tpu.memory_space<vmem>>) offsets(%dma_start3A_16 : memref<128xi32, #tpu.memory_space<vmem>>) semaphore(%arg12 : memref<!tpu.dma_semaphore, #tpu.memory_space<semaphore_mem>>)
    %scan3A = arith.constant 0 : i32
    %scan3A_20 = arith.constant 0 : i32
    %scan3A_21 = arith.constant 19 : i32
    %scan3A_22 = arith.addi %scan3A_20, %scan3A_21 : i32
    %scan3A_23 = arith.constant 1 : i32
    %scan3A_24 = scf.for %scan3A_109 = %scan3A_20 to %scan3A_22 step %scan3A_23 iter_args(%scan3A_110 = %scan3A) -> (i32)  : i32 {
      %mul3A_111 = arith.constant 2 : i32
      %mul3A_112 = arith.muli %mul3A_111, %scan3A_109 : i32
      %add3A_113 = arith.constant 1 : i32
      %add3A_114 = arith.addi %mul3A_112, %add3A_113 : i32
      %dma_start3A_115 = arith.constant 0 : i32
      %dma_start3A_116 = tpu.memref_slice %arg7[%add3A_114, %dma_start3A_115] : memref<40x128xi32, #tpu.memory_space<vmem>> -> memref<1x128xi32, #tpu.memory_space<vmem>>
      %dma_start3A_117 = tpu.memref_squeeze %dma_start3A_116 : memref<1x128xi32, #tpu.memory_space<vmem>> -> memref<128xi32, #tpu.memory_space<vmem>>
      %dma_start3A_118 = arith.constant 0 : i32
      %dma_start3A_119 = arith.constant 0 : i32
      %dma_start3A_120 = tpu.memref_slice %arg2[%dma_start3A_118, %dma_start3A_119] : memref<20224x128xf32, #tpu.memory_space<hbm>> -> memref<20224x128xf32, #tpu.memory_space<hbm>>
      tpu.enqueue_indirect_dma source(%dma_start3A_120 : memref<20224x128xf32, #tpu.memory_space<hbm>>) target(%arg10 : memref<128x128xf32, #tpu.memory_space<vmem>>) offsets(%dma_start3A_117 : memref<128xi32, #tpu.memory_space<vmem>>) semaphore(%arg13 : memref<!tpu.dma_semaphore, #tpu.memory_space<semaphore_mem>>)
      %dma_wait3A_121 = arith.constant 0 : i32
      %dma_wait3A_122 = tpu.memref_slice %arg7[%mul3A_112, %dma_wait3A_121] : memref<40x128xi32, #tpu.memory_space<vmem>> -> memref<1x128xi32, #tpu.memory_space<vmem>>
      %dma_wait3A_123 = tpu.memref_squeeze %dma_wait3A_122 : memref<1x128xi32, #tpu.memory_space<vmem>> -> memref<128xi32, #tpu.memory_space<vmem>>
      %dma_wait3A_124 = arith.constant 0 : i32
      %dma_wait3A_125 = arith.constant 0 : i32
      %dma_wait3A_126 = tpu.memref_slice %arg2[%dma_wait3A_124, %dma_wait3A_125] : memref<20224x128xf32, #tpu.memory_space<hbm>> -> memref<20224x128xf32, #tpu.memory_space<hbm>>
      tpu.wait_indirect_dma semaphore(%arg12 : memref<!tpu.dma_semaphore, #tpu.memory_space<semaphore_mem>>) src(%dma_wait3A_126 : memref<20224x128xf32, #tpu.memory_space<hbm>>) dst(%arg9 : memref<128x128xf32, #tpu.memory_space<vmem>>)
      "tpu.region"() ({
        %run_scoped3A_146 = tpu.sem_alloc : memref<!tpu.dma_semaphore, #tpu.memory_space<semaphore_mem>>
        %dma_start3A_147 = arith.constant 0 : i32
        %dma_start3A_148 = tpu.memref_slice %arg8[%mul3A_112, %dma_start3A_147] : memref<40x128xi32, #tpu.memory_space<vmem>> -> memref<1x128xi32, #tpu.memory_space<vmem>>
        %dma_start3A_149 = tpu.memref_squeeze %dma_start3A_148 : memref<1x128xi32, #tpu.memory_space<vmem>> -> memref<128xi32, #tpu.memory_space<vmem>>
        %dma_start3A_150 = arith.constant 0 : i32
        %dma_start3A_151 = arith.constant 0 : i32
        %dma_start3A_152 = tpu.memref_slice %arg11[%dma_start3A_150, %dma_start3A_151] : memref<10240x128xf32, #tpu.memory_space<vmem_shared>> -> memref<10240x128xf32, #tpu.memory_space<vmem_shared>>
        tpu.enqueue_indirect_dma source(%arg9 : memref<128x128xf32, #tpu.memory_space<vmem>>) target(%dma_start3A_152 : memref<10240x128xf32, #tpu.memory_space<vmem_shared>>) offsets(%dma_start3A_149 : memref<128xi32, #tpu.memory_space<vmem>>) semaphore(%run_scoped3A_146 : memref<!tpu.dma_semaphore, #tpu.memory_space<semaphore_mem>>) {add = true}
        %dma_wait3A_153 = arith.constant 0 : i32
        %dma_wait3A_154 = tpu.memref_slice %arg8[%mul3A_112, %dma_wait3A_153] : memref<40x128xi32, #tpu.memory_space<vmem>> -> memref<1x128xi32, #tpu.memory_space<vmem>>
        %dma_wait3A_155 = tpu.memref_squeeze %dma_wait3A_154 : memref<1x128xi32, #tpu.memory_space<vmem>> -> memref<128xi32, #tpu.memory_space<vmem>>
        %dma_wait3A_156 = arith.constant 0 : i32
        %dma_wait3A_157 = arith.constant 0 : i32
        %dma_wait3A_158 = tpu.memref_slice %arg11[%dma_wait3A_156, %dma_wait3A_157] : memref<10240x128xf32, #tpu.memory_space<vmem_shared>> -> memref<10240x128xf32, #tpu.memory_space<vmem_shared>>
        tpu.wait_indirect_dma semaphore(%run_scoped3A_146 : memref<!tpu.dma_semaphore, #tpu.memory_space<semaphore_mem>>) src(%arg9 : memref<128x128xf32, #tpu.memory_space<vmem>>) dst(%dma_wait3A_158 : memref<10240x128xf32, #tpu.memory_space<vmem_shared>>)
        tpu.yield
      }) : () -> ()
      %add3A_127 = arith.constant 2 : i32
      %add3A_128 = arith.addi %mul3A_112, %add3A_127 : i32
      %dma_start3A_129 = arith.constant 0 : i32
      %dma_start3A_130 = tpu.memref_slice %arg7[%add3A_128, %dma_start3A_129] : memref<40x128xi32, #tpu.memory_space<vmem>> -> memref<1x128xi32, #tpu.memory_space<vmem>>
      %dma_start3A_131 = tpu.memref_squeeze %dma_start3A_130 : memref<1x128xi32, #tpu.memory_space<vmem>> -> memref<128xi32, #tpu.memory_space<vmem>>
      %dma_start3A_132 = arith.constant 0 : i32
      %dma_start3A_133 = arith.constant 0 : i32
      %dma_start3A_134 = tpu.memref_slice %arg2[%dma_start3A_132, %dma_start3A_133] : memref<20224x128xf32, #tpu.memory_space<hbm>> -> memref<20224x128xf32, #tpu.memory_space<hbm>>
      tpu.enqueue_indirect_dma source(%dma_start3A_134 : memref<20224x128xf32, #tpu.memory_space<hbm>>) target(%arg9 : memref<128x128xf32, #tpu.memory_space<vmem>>) offsets(%dma_start3A_131 : memref<128xi32, #tpu.memory_space<vmem>>) semaphore(%arg12 : memref<!tpu.dma_semaphore, #tpu.memory_space<semaphore_mem>>)
      %add3A_135 = arith.constant 1 : i32
      %add3A_136 = arith.addi %mul3A_112, %add3A_135 : i32
      %dma_wait3A_137 = arith.constant 0 : i32
      %dma_wait3A_138 = tpu.memref_slice %arg7[%add3A_136, %dma_wait3A_137] : memref<40x128xi32, #tpu.memory_space<vmem>> -> memref<1x128xi32, #tpu.memory_space<vmem>>
      %dma_wait3A_139 = tpu.memref_squeeze %dma_wait3A_138 : memref<1x128xi32, #tpu.memory_space<vmem>> -> memref<128xi32, #tpu.memory_space<vmem>>
      %dma_wait3A_140 = arith.constant 0 : i32
      %dma_wait3A_141 = arith.constant 0 : i32
      %dma_wait3A_142 = tpu.memref_slice %arg2[%dma_wait3A_140, %dma_wait3A_141] : memref<20224x128xf32, #tpu.memory_space<hbm>> -> memref<20224x128xf32, #tpu.memory_space<hbm>>
      tpu.wait_indirect_dma semaphore(%arg13 : memref<!tpu.dma_semaphore, #tpu.memory_space<semaphore_mem>>) src(%dma_wait3A_142 : memref<20224x128xf32, #tpu.memory_space<hbm>>) dst(%arg10 : memref<128x128xf32, #tpu.memory_space<vmem>>)
      %add3A_143 = arith.constant 1 : i32
      %add3A_144 = arith.addi %mul3A_112, %add3A_143 : i32
      "tpu.region"() ({
        %run_scoped3A_146 = tpu.sem_alloc : memref<!tpu.dma_semaphore, #tpu.memory_space<semaphore_mem>>
        %dma_start3A_147 = arith.constant 0 : i32
        %dma_start3A_148 = tpu.memref_slice %arg8[%add3A_144, %dma_start3A_147] : memref<40x128xi32, #tpu.memory_space<vmem>> -> memref<1x128xi32, #tpu.memory_space<vmem>>
        %dma_start3A_149 = tpu.memref_squeeze %dma_start3A_148 : memref<1x128xi32, #tpu.memory_space<vmem>> -> memref<128xi32, #tpu.memory_space<vmem>>
        %dma_start3A_150 = arith.constant 0 : i32
        %dma_start3A_151 = arith.constant 0 : i32
        %dma_start3A_152 = tpu.memref_slice %arg11[%dma_start3A_150, %dma_start3A_151] : memref<10240x128xf32, #tpu.memory_space<vmem_shared>> -> memref<10240x128xf32, #tpu.memory_space<vmem_shared>>
        tpu.enqueue_indirect_dma source(%arg10 : memref<128x128xf32, #tpu.memory_space<vmem>>) target(%dma_start3A_152 : memref<10240x128xf32, #tpu.memory_space<vmem_shared>>) offsets(%dma_start3A_149 : memref<128xi32, #tpu.memory_space<vmem>>) semaphore(%run_scoped3A_146 : memref<!tpu.dma_semaphore, #tpu.memory_space<semaphore_mem>>) {add = true}
        %dma_wait3A_153 = arith.constant 0 : i32
        %dma_wait3A_154 = tpu.memref_slice %arg8[%add3A_144, %dma_wait3A_153] : memref<40x128xi32, #tpu.memory_space<vmem>> -> memref<1x128xi32, #tpu.memory_space<vmem>>
        %dma_wait3A_155 = tpu.memref_squeeze %dma_wait3A_154 : memref<1x128xi32, #tpu.memory_space<vmem>> -> memref<128xi32, #tpu.memory_space<vmem>>
        %dma_wait3A_156 = arith.constant 0 : i32
        %dma_wait3A_157 = arith.constant 0 : i32
        %dma_wait3A_158 = tpu.memref_slice %arg11[%dma_wait3A_156, %dma_wait3A_157] : memref<10240x128xf32, #tpu.memory_space<vmem_shared>> -> memref<10240x128xf32, #tpu.memory_space<vmem_shared>>
        tpu.wait_indirect_dma semaphore(%run_scoped3A_146 : memref<!tpu.dma_semaphore, #tpu.memory_space<semaphore_mem>>) src(%arg10 : memref<128x128xf32, #tpu.memory_space<vmem>>) dst(%dma_wait3A_158 : memref<10240x128xf32, #tpu.memory_space<vmem_shared>>)
        tpu.yield
      }) : () -> ()
      %scan3A_145 = arith.constant 0 : i32
      scf.yield %scan3A_145 : i32
    }
    %scan3A_25 = arith.constant 19 : i32
    %dma_start3A_26 = arith.constant 39 : i32
    %dma_start3A_27 = arith.constant 0 : i32
    %dma_start3A_28 = tpu.memref_slice %arg7[%dma_start3A_26, %dma_start3A_27] : memref<40x128xi32, #tpu.memory_space<vmem>> -> memref<1x128xi32, #tpu.memory_space<vmem>>
    %dma_start3A_29 = tpu.memref_squeeze %dma_start3A_28 : memref<1x128xi32, #tpu.memory_space<vmem>> -> memref<128xi32, #tpu.memory_space<vmem>>
    %dma_start3A_30 = arith.constant 0 : i32
    %dma_start3A_31 = arith.constant 0 : i32
    %dma_start3A_32 = tpu.memref_slice %arg2[%dma_start3A_30, %dma_start3A_31] : memref<20224x128xf32, #tpu.memory_space<hbm>> -> memref<20224x128xf32, #tpu.memory_space<hbm>>
    tpu.enqueue_indirect_dma source(%dma_start3A_32 : memref<20224x128xf32, #tpu.memory_space<hbm>>) target(%arg10 : memref<128x128xf32, #tpu.memory_space<vmem>>) offsets(%dma_start3A_29 : memref<128xi32, #tpu.memory_space<vmem>>) semaphore(%arg13 : memref<!tpu.dma_semaphore, #tpu.memory_space<semaphore_mem>>)
    %dma_wait3A = arith.constant 38 : i32
    %dma_wait3A_33 = arith.constant 0 : i32
    %dma_wait3A_34 = tpu.memref_slice %arg7[%dma_wait3A, %dma_wait3A_33] : memref<40x128xi32, #tpu.memory_space<vmem>> -> memref<1x128xi32, #tpu.memory_space<vmem>>
    %dma_wait3A_35 = tpu.memref_squeeze %dma_wait3A_34 : memref<1x128xi32, #tpu.memory_space<vmem>> -> memref<128xi32, #tpu.memory_space<vmem>>
    %dma_wait3A_36 = arith.constant 0 : i32
    %dma_wait3A_37 = arith.constant 0 : i32
    %dma_wait3A_38 = tpu.memref_slice %arg2[%dma_wait3A_36, %dma_wait3A_37] : memref<20224x128xf32, #tpu.memory_space<hbm>> -> memref<20224x128xf32, #tpu.memory_space<hbm>>
    tpu.wait_indirect_dma semaphore(%arg12 : memref<!tpu.dma_semaphore, #tpu.memory_space<semaphore_mem>>) src(%dma_wait3A_38 : memref<20224x128xf32, #tpu.memory_space<hbm>>) dst(%arg9 : memref<128x128xf32, #tpu.memory_space<vmem>>)
    %run_scoped3A = arith.constant 38 : i32
    "tpu.region"() ({
      %run_scoped3A_109 = tpu.sem_alloc : memref<!tpu.dma_semaphore, #tpu.memory_space<semaphore_mem>>
      %dma_start3A_110 = arith.constant 0 : i32
      %dma_start3A_111 = tpu.memref_slice %arg8[%run_scoped3A, %dma_start3A_110] : memref<40x128xi32, #tpu.memory_space<vmem>> -> memref<1x128xi32, #tpu.memory_space<vmem>>
      %dma_start3A_112 = tpu.memref_squeeze %dma_start3A_111 : memref<1x128xi32, #tpu.memory_space<vmem>> -> memref<128xi32, #tpu.memory_space<vmem>>
      %dma_start3A_113 = arith.constant 0 : i32
      %dma_start3A_114 = arith.constant 0 : i32
      %dma_start3A_115 = tpu.memref_slice %arg11[%dma_start3A_113, %dma_start3A_114] : memref<10240x128xf32, #tpu.memory_space<vmem_shared>> -> memref<10240x128xf32, #tpu.memory_space<vmem_shared>>
      tpu.enqueue_indirect_dma source(%arg9 : memref<128x128xf32, #tpu.memory_space<vmem>>) target(%dma_start3A_115 : memref<10240x128xf32, #tpu.memory_space<vmem_shared>>) offsets(%dma_start3A_112 : memref<128xi32, #tpu.memory_space<vmem>>) semaphore(%run_scoped3A_109 : memref<!tpu.dma_semaphore, #tpu.memory_space<semaphore_mem>>) {add = true}
      %dma_wait3A_116 = arith.constant 0 : i32
      %dma_wait3A_117 = tpu.memref_slice %arg8[%run_scoped3A, %dma_wait3A_116] : memref<40x128xi32, #tpu.memory_space<vmem>> -> memref<1x128xi32, #tpu.memory_space<vmem>>
      %dma_wait3A_118 = tpu.memref_squeeze %dma_wait3A_117 : memref<1x128xi32, #tpu.memory_space<vmem>> -> memref<128xi32, #tpu.memory_space<vmem>>
      %dma_wait3A_119 = arith.constant 0 : i32
      %dma_wait3A_120 = arith.constant 0 : i32
      %dma_wait3A_121 = tpu.memref_slice %arg11[%dma_wait3A_119, %dma_wait3A_120] : memref<10240x128xf32, #tpu.memory_space<vmem_shared>> -> memref<10240x128xf32, #tpu.memory_space<vmem_shared>>
      tpu.wait_indirect_dma semaphore(%run_scoped3A_109 : memref<!tpu.dma_semaphore, #tpu.memory_space<semaphore_mem>>) src(%arg9 : memref<128x128xf32, #tpu.memory_space<vmem>>) dst(%dma_wait3A_121 : memref<10240x128xf32, #tpu.memory_space<vmem_shared>>)
      tpu.yield
    }) : () -> ()
    %dma_wait3A_39 = arith.constant 39 : i32
    %dma_wait3A_40 = arith.constant 0 : i32
    %dma_wait3A_41 = tpu.memref_slice %arg7[%dma_wait3A_39, %dma_wait3A_40] : memref<40x128xi32, #tpu.memory_space<vmem>> -> memref<1x128xi32, #tpu.memory_space<vmem>>
    %dma_wait3A_42 = tpu.memref_squeeze %dma_wait3A_41 : memref<1x128xi32, #tpu.memory_space<vmem>> -> memref<128xi32, #tpu.memory_space<vmem>>
    %dma_wait3A_43 = arith.constant 0 : i32
    %dma_wait3A_44 = arith.constant 0 : i32
    %dma_wait3A_45 = tpu.memref_slice %arg2[%dma_wait3A_43, %dma_wait3A_44] : memref<20224x128xf32, #tpu.memory_space<hbm>> -> memref<20224x128xf32, #tpu.memory_space<hbm>>
    tpu.wait_indirect_dma semaphore(%arg13 : memref<!tpu.dma_semaphore, #tpu.memory_space<semaphore_mem>>) src(%dma_wait3A_45 : memref<20224x128xf32, #tpu.memory_space<hbm>>) dst(%arg10 : memref<128x128xf32, #tpu.memory_space<vmem>>)
    %run_scoped3A_46 = arith.constant 39 : i32
    "tpu.region"() ({
      %run_scoped3A_109 = tpu.sem_alloc : memref<!tpu.dma_semaphore, #tpu.memory_space<semaphore_mem>>
      %dma_start3A_110 = arith.constant 0 : i32
      %dma_start3A_111 = tpu.memref_slice %arg8[%run_scoped3A_46, %dma_start3A_110] : memref<40x128xi32, #tpu.memory_space<vmem>> -> memref<1x128xi32, #tpu.memory_space<vmem>>
      %dma_start3A_112 = tpu.memref_squeeze %dma_start3A_111 : memref<1x128xi32, #tpu.memory_space<vmem>> -> memref<128xi32, #tpu.memory_space<vmem>>
      %dma_start3A_113 = arith.constant 0 : i32
      %dma_start3A_114 = arith.constant 0 : i32
      %dma_start3A_115 = tpu.memref_slice %arg11[%dma_start3A_113, %dma_start3A_114] : memref<10240x128xf32, #tpu.memory_space<vmem_shared>> -> memref<10240x128xf32, #tpu.memory_space<vmem_shared>>
      tpu.enqueue_indirect_dma source(%arg10 : memref<128x128xf32, #tpu.memory_space<vmem>>) target(%dma_start3A_115 : memref<10240x128xf32, #tpu.memory_space<vmem_shared>>) offsets(%dma_start3A_112 : memref<128xi32, #tpu.memory_space<vmem>>) semaphore(%run_scoped3A_109 : memref<!tpu.dma_semaphore, #tpu.memory_space<semaphore_mem>>) {add = true}
      %dma_wait3A_116 = arith.constant 0 : i32
      %dma_wait3A_117 = tpu.memref_slice %arg8[%run_scoped3A_46, %dma_wait3A_116] : memref<40x128xi32, #tpu.memory_space<vmem>> -> memref<1x128xi32, #tpu.memory_space<vmem>>
      %dma_wait3A_118 = tpu.memref_squeeze %dma_wait3A_117 : memref<1x128xi32, #tpu.memory_space<vmem>> -> memref<128xi32, #tpu.memory_space<vmem>>
      %dma_wait3A_119 = arith.constant 0 : i32
      %dma_wait3A_120 = arith.constant 0 : i32
      %dma_wait3A_121 = tpu.memref_slice %arg11[%dma_wait3A_119, %dma_wait3A_120] : memref<10240x128xf32, #tpu.memory_space<vmem_shared>> -> memref<10240x128xf32, #tpu.memory_space<vmem_shared>>
      tpu.wait_indirect_dma semaphore(%run_scoped3A_109 : memref<!tpu.dma_semaphore, #tpu.memory_space<semaphore_mem>>) src(%arg10 : memref<128x128xf32, #tpu.memory_space<vmem>>) dst(%dma_wait3A_121 : memref<10240x128xf32, #tpu.memory_space<vmem_shared>>)
      tpu.yield
    }) : () -> ()
    %mul3A_47 = arith.constant 80 : i32
    %mul3A_48 = arith.muli %arg1, %mul3A_47 : i32
    %add3A_49 = arith.constant 40 : i32
    %add3A_50 = arith.addi %mul3A_48, %add3A_49 : i32
    "tpu.region"() ({
      %run_scoped3A_109 = tpu.sem_alloc : memref<!tpu.dma_semaphore, #tpu.memory_space<semaphore_mem>>
      %dma_start3A_110 = arith.constant 0 : i32
      %dma_start3A_111 = tpu.memref_slice %arg3[%arg0, %add3A_50, %dma_start3A_110] : memref<2x1280x128xi32, #tpu.memory_space<hbm>> -> memref<1x40x128xi32, #tpu.memory_space<hbm>>
      %dma_start3A_112 = tpu.memref_squeeze %dma_start3A_111 : memref<1x40x128xi32, #tpu.memory_space<hbm>> -> memref<40x128xi32, #tpu.memory_space<hbm>>
      %dma_start3A_113 = arith.constant 0 : i32
      %dma_start3A_114 = tpu.memref_slice %arg3[%arg0, %add3A_50, %dma_start3A_113] : memref<2x1280x128xi32, #tpu.memory_space<hbm>> -> memref<1x40x128xi32, #tpu.memory_space<hbm>>
      %dma_start3A_115 = tpu.memref_squeeze %dma_start3A_114 : memref<1x40x128xi32, #tpu.memory_space<hbm>> -> memref<40x128xi32, #tpu.memory_space<hbm>>
      tpu.enqueue_dma source(%dma_start3A_115 : memref<40x128xi32, #tpu.memory_space<hbm>>) target(%arg7 : memref<40x128xi32, #tpu.memory_space<vmem>>) target_semaphore(%run_scoped3A_109 : memref<!tpu.dma_semaphore, #tpu.memory_space<semaphore_mem>>)
      %dma_wait3A_116 = arith.constant 0 : i32
      %dma_wait3A_117 = tpu.memref_slice %arg3[%arg0, %add3A_50, %dma_wait3A_116] : memref<2x1280x128xi32, #tpu.memory_space<hbm>> -> memref<1x40x128xi32, #tpu.memory_space<hbm>>
      %dma_wait3A_118 = tpu.memref_squeeze %dma_wait3A_117 : memref<1x40x128xi32, #tpu.memory_space<hbm>> -> memref<40x128xi32, #tpu.memory_space<hbm>>
      %dma_wait3A_119 = arith.constant 0 : i32
      %dma_wait3A_120 = tpu.memref_slice %arg3[%arg0, %add3A_50, %dma_wait3A_119] : memref<2x1280x128xi32, #tpu.memory_space<hbm>> -> memref<1x40x128xi32, #tpu.memory_space<hbm>>
      %dma_wait3A_121 = tpu.memref_squeeze %dma_wait3A_120 : memref<1x40x128xi32, #tpu.memory_space<hbm>> -> memref<40x128xi32, #tpu.memory_space<hbm>>
      tpu.wait_dma2 semaphore(%run_scoped3A_109 : memref<!tpu.dma_semaphore, #tpu.memory_space<semaphore_mem>>) src(%dma_wait3A_121 : memref<40x128xi32, #tpu.memory_space<hbm>>) dst(%arg7 : memref<40x128xi32, #tpu.memory_space<vmem>>)
      tpu.yield
    }) : () -> ()
    "tpu.region"() ({
      %run_scoped3A_109 = tpu.sem_alloc : memref<!tpu.dma_semaphore, #tpu.memory_space<semaphore_mem>>
      %dma_start3A_110 = arith.constant 0 : i32
      %dma_start3A_111 = tpu.memref_slice %arg4[%add3A_50, %dma_start3A_110] : memref<1280x128xi32, #tpu.memory_space<hbm>> -> memref<40x128xi32, #tpu.memory_space<hbm>>
      %dma_start3A_112 = arith.constant 0 : i32
      %dma_start3A_113 = tpu.memref_slice %arg4[%add3A_50, %dma_start3A_112] : memref<1280x128xi32, #tpu.memory_space<hbm>> -> memref<40x128xi32, #tpu.memory_space<hbm>>
      tpu.enqueue_dma source(%dma_start3A_113 : memref<40x128xi32, #tpu.memory_space<hbm>>) target(%arg8 : memref<40x128xi32, #tpu.memory_space<vmem>>) target_semaphore(%run_scoped3A_109 : memref<!tpu.dma_semaphore, #tpu.memory_space<semaphore_mem>>)
      %dma_wait3A_114 = arith.constant 0 : i32
      %dma_wait3A_115 = tpu.memref_slice %arg4[%add3A_50, %dma_wait3A_114] : memref<1280x128xi32, #tpu.memory_space<hbm>> -> memref<40x128xi32, #tpu.memory_space<hbm>>
      %dma_wait3A_116 = arith.constant 0 : i32
      %dma_wait3A_117 = tpu.memref_slice %arg4[%add3A_50, %dma_wait3A_116] : memref<1280x128xi32, #tpu.memory_space<hbm>> -> memref<40x128xi32, #tpu.memory_space<hbm>>
      tpu.wait_dma2 semaphore(%run_scoped3A_109 : memref<!tpu.dma_semaphore, #tpu.memory_space<semaphore_mem>>) src(%dma_wait3A_117 : memref<40x128xi32, #tpu.memory_space<hbm>>) dst(%arg8 : memref<40x128xi32, #tpu.memory_space<vmem>>)
      tpu.yield
    }) : () -> ()
    %dma_start3A_51 = arith.constant 0 : i32
    %dma_start3A_52 = arith.constant 0 : i32
    %dma_start3A_53 = tpu.memref_slice %arg7[%dma_start3A_51, %dma_start3A_52] : memref<40x128xi32, #tpu.memory_space<vmem>> -> memref<1x128xi32, #tpu.memory_space<vmem>>
    %dma_start3A_54 = tpu.memref_squeeze %dma_start3A_53 : memref<1x128xi32, #tpu.memory_space<vmem>> -> memref<128xi32, #tpu.memory_space<vmem>>
    %dma_start3A_55 = arith.constant 0 : i32
    %dma_start3A_56 = arith.constant 0 : i32
    %dma_start3A_57 = tpu.memref_slice %arg2[%dma_start3A_55, %dma_start3A_56] : memref<20224x128xf32, #tpu.memory_space<hbm>> -> memref<20224x128xf32, #tpu.memory_space<hbm>>
    tpu.enqueue_indirect_dma source(%dma_start3A_57 : memref<20224x128xf32, #tpu.memory_space<hbm>>) target(%arg9 : memref<128x128xf32, #tpu.memory_space<vmem>>) offsets(%dma_start3A_54 : memref<128xi32, #tpu.memory_space<vmem>>) semaphore(%arg12 : memref<!tpu.dma_semaphore, #tpu.memory_space<semaphore_mem>>)
    %scan3A_58 = arith.constant 0 : i32
    %scan3A_59 = arith.constant 0 : i32
    %scan3A_60 = arith.constant 19 : i32
    %scan3A_61 = arith.addi %scan3A_59, %scan3A_60 : i32
    %scan3A_62 = arith.constant 1 : i32
    %scan3A_63 = scf.for %scan3A_109 = %scan3A_59 to %scan3A_61 step %scan3A_62 iter_args(%scan3A_110 = %scan3A_58) -> (i32)  : i32 {
      %mul3A_111 = arith.constant 2 : i32
      %mul3A_112 = arith.muli %mul3A_111, %scan3A_109 : i32
      %add3A_113 = arith.constant 1 : i32
      %add3A_114 = arith.addi %mul3A_112, %add3A_113 : i32
      %dma_start3A_115 = arith.constant 0 : i32
      %dma_start3A_116 = tpu.memref_slice %arg7[%add3A_114, %dma_start3A_115] : memref<40x128xi32, #tpu.memory_space<vmem>> -> memref<1x128xi32, #tpu.memory_space<vmem>>
      %dma_start3A_117 = tpu.memref_squeeze %dma_start3A_116 : memref<1x128xi32, #tpu.memory_space<vmem>> -> memref<128xi32, #tpu.memory_space<vmem>>
      %dma_start3A_118 = arith.constant 0 : i32
      %dma_start3A_119 = arith.constant 0 : i32
      %dma_start3A_120 = tpu.memref_slice %arg2[%dma_start3A_118, %dma_start3A_119] : memref<20224x128xf32, #tpu.memory_space<hbm>> -> memref<20224x128xf32, #tpu.memory_space<hbm>>
      tpu.enqueue_indirect_dma source(%dma_start3A_120 : memref<20224x128xf32, #tpu.memory_space<hbm>>) target(%arg10 : memref<128x128xf32, #tpu.memory_space<vmem>>) offsets(%dma_start3A_117 : memref<128xi32, #tpu.memory_space<vmem>>) semaphore(%arg13 : memref<!tpu.dma_semaphore, #tpu.memory_space<semaphore_mem>>)
      %dma_wait3A_121 = arith.constant 0 : i32
      %dma_wait3A_122 = tpu.memref_slice %arg7[%mul3A_112, %dma_wait3A_121] : memref<40x128xi32, #tpu.memory_space<vmem>> -> memref<1x128xi32, #tpu.memory_space<vmem>>
      %dma_wait3A_123 = tpu.memref_squeeze %dma_wait3A_122 : memref<1x128xi32, #tpu.memory_space<vmem>> -> memref<128xi32, #tpu.memory_space<vmem>>
      %dma_wait3A_124 = arith.constant 0 : i32
      %dma_wait3A_125 = arith.constant 0 : i32
      %dma_wait3A_126 = tpu.memref_slice %arg2[%dma_wait3A_124, %dma_wait3A_125] : memref<20224x128xf32, #tpu.memory_space<hbm>> -> memref<20224x128xf32, #tpu.memory_space<hbm>>
      tpu.wait_indirect_dma semaphore(%arg12 : memref<!tpu.dma_semaphore, #tpu.memory_space<semaphore_mem>>) src(%dma_wait3A_126 : memref<20224x128xf32, #tpu.memory_space<hbm>>) dst(%arg9 : memref<128x128xf32, #tpu.memory_space<vmem>>)
      "tpu.region"() ({
        %run_scoped3A_146 = tpu.sem_alloc : memref<!tpu.dma_semaphore, #tpu.memory_space<semaphore_mem>>
        %dma_start3A_147 = arith.constant 0 : i32
        %dma_start3A_148 = tpu.memref_slice %arg8[%mul3A_112, %dma_start3A_147] : memref<40x128xi32, #tpu.memory_space<vmem>> -> memref<1x128xi32, #tpu.memory_space<vmem>>
        %dma_start3A_149 = tpu.memref_squeeze %dma_start3A_148 : memref<1x128xi32, #tpu.memory_space<vmem>> -> memref<128xi32, #tpu.memory_space<vmem>>
        %dma_start3A_150 = arith.constant 0 : i32
        %dma_start3A_151 = arith.constant 0 : i32
        %dma_start3A_152 = tpu.memref_slice %arg11[%dma_start3A_150, %dma_start3A_151] : memref<10240x128xf32, #tpu.memory_space<vmem_shared>> -> memref<10240x128xf32, #tpu.memory_space<vmem_shared>>
        tpu.enqueue_indirect_dma source(%arg9 : memref<128x128xf32, #tpu.memory_space<vmem>>) target(%dma_start3A_152 : memref<10240x128xf32, #tpu.memory_space<vmem_shared>>) offsets(%dma_start3A_149 : memref<128xi32, #tpu.memory_space<vmem>>) semaphore(%run_scoped3A_146 : memref<!tpu.dma_semaphore, #tpu.memory_space<semaphore_mem>>) {add = true}
        %dma_wait3A_153 = arith.constant 0 : i32
        %dma_wait3A_154 = tpu.memref_slice %arg8[%mul3A_112, %dma_wait3A_153] : memref<40x128xi32, #tpu.memory_space<vmem>> -> memref<1x128xi32, #tpu.memory_space<vmem>>
        %dma_wait3A_155 = tpu.memref_squeeze %dma_wait3A_154 : memref<1x128xi32, #tpu.memory_space<vmem>> -> memref<128xi32, #tpu.memory_space<vmem>>
        %dma_wait3A_156 = arith.constant 0 : i32
        %dma_wait3A_157 = arith.constant 0 : i32
        %dma_wait3A_158 = tpu.memref_slice %arg11[%dma_wait3A_156, %dma_wait3A_157] : memref<10240x128xf32, #tpu.memory_space<vmem_shared>> -> memref<10240x128xf32, #tpu.memory_space<vmem_shared>>
        tpu.wait_indirect_dma semaphore(%run_scoped3A_146 : memref<!tpu.dma_semaphore, #tpu.memory_space<semaphore_mem>>) src(%arg9 : memref<128x128xf32, #tpu.memory_space<vmem>>) dst(%dma_wait3A_158 : memref<10240x128xf32, #tpu.memory_space<vmem_shared>>)
        tpu.yield
      }) : () -> ()
      %add3A_127 = arith.constant 2 : i32
      %add3A_128 = arith.addi %mul3A_112, %add3A_127 : i32
      %dma_start3A_129 = arith.constant 0 : i32
      %dma_start3A_130 = tpu.memref_slice %arg7[%add3A_128, %dma_start3A_129] : memref<40x128xi32, #tpu.memory_space<vmem>> -> memref<1x128xi32, #tpu.memory_space<vmem>>
      %dma_start3A_131 = tpu.memref_squeeze %dma_start3A_130 : memref<1x128xi32, #tpu.memory_space<vmem>> -> memref<128xi32, #tpu.memory_space<vmem>>
      %dma_start3A_132 = arith.constant 0 : i32
      %dma_start3A_133 = arith.constant 0 : i32
      %dma_start3A_134 = tpu.memref_slice %arg2[%dma_start3A_132, %dma_start3A_133] : memref<20224x128xf32, #tpu.memory_space<hbm>> -> memref<20224x128xf32, #tpu.memory_space<hbm>>
      tpu.enqueue_indirect_dma source(%dma_start3A_134 : memref<20224x128xf32, #tpu.memory_space<hbm>>) target(%arg9 : memref<128x128xf32, #tpu.memory_space<vmem>>) offsets(%dma_start3A_131 : memref<128xi32, #tpu.memory_space<vmem>>) semaphore(%arg12 : memref<!tpu.dma_semaphore, #tpu.memory_space<semaphore_mem>>)
      %add3A_135 = arith.constant 1 : i32
      %add3A_136 = arith.addi %mul3A_112, %add3A_135 : i32
      %dma_wait3A_137 = arith.constant 0 : i32
      %dma_wait3A_138 = tpu.memref_slice %arg7[%add3A_136, %dma_wait3A_137] : memref<40x128xi32, #tpu.memory_space<vmem>> -> memref<1x128xi32, #tpu.memory_space<vmem>>
      %dma_wait3A_139 = tpu.memref_squeeze %dma_wait3A_138 : memref<1x128xi32, #tpu.memory_space<vmem>> -> memref<128xi32, #tpu.memory_space<vmem>>
      %dma_wait3A_140 = arith.constant 0 : i32
      %dma_wait3A_141 = arith.constant 0 : i32
      %dma_wait3A_142 = tpu.memref_slice %arg2[%dma_wait3A_140, %dma_wait3A_141] : memref<20224x128xf32, #tpu.memory_space<hbm>> -> memref<20224x128xf32, #tpu.memory_space<hbm>>
      tpu.wait_indirect_dma semaphore(%arg13 : memref<!tpu.dma_semaphore, #tpu.memory_space<semaphore_mem>>) src(%dma_wait3A_142 : memref<20224x128xf32, #tpu.memory_space<hbm>>) dst(%arg10 : memref<128x128xf32, #tpu.memory_space<vmem>>)
      %add3A_143 = arith.constant 1 : i32
      %add3A_144 = arith.addi %mul3A_112, %add3A_143 : i32
      "tpu.region"() ({
        %run_scoped3A_146 = tpu.sem_alloc : memref<!tpu.dma_semaphore, #tpu.memory_space<semaphore_mem>>
        %dma_start3A_147 = arith.constant 0 : i32
        %dma_start3A_148 = tpu.memref_slice %arg8[%add3A_144, %dma_start3A_147] : memref<40x128xi32, #tpu.memory_space<vmem>> -> memref<1x128xi32, #tpu.memory_space<vmem>>
        %dma_start3A_149 = tpu.memref_squeeze %dma_start3A_148 : memref<1x128xi32, #tpu.memory_space<vmem>> -> memref<128xi32, #tpu.memory_space<vmem>>
        %dma_start3A_150 = arith.constant 0 : i32
        %dma_start3A_151 = arith.constant 0 : i32
        %dma_start3A_152 = tpu.memref_slice %arg11[%dma_start3A_150, %dma_start3A_151] : memref<10240x128xf32, #tpu.memory_space<vmem_shared>> -> memref<10240x128xf32, #tpu.memory_space<vmem_shared>>
        tpu.enqueue_indirect_dma source(%arg10 : memref<128x128xf32, #tpu.memory_space<vmem>>) target(%dma_start3A_152 : memref<10240x128xf32, #tpu.memory_space<vmem_shared>>) offsets(%dma_start3A_149 : memref<128xi32, #tpu.memory_space<vmem>>) semaphore(%run_scoped3A_146 : memref<!tpu.dma_semaphore, #tpu.memory_space<semaphore_mem>>) {add = true}
        %dma_wait3A_153 = arith.constant 0 : i32
        %dma_wait3A_154 = tpu.memref_slice %arg8[%add3A_144, %dma_wait3A_153] : memref<40x128xi32, #tpu.memory_space<vmem>> -> memref<1x128xi32, #tpu.memory_space<vmem>>
        %dma_wait3A_155 = tpu.memref_squeeze %dma_wait3A_154 : memref<1x128xi32, #tpu.memory_space<vmem>> -> memref<128xi32, #tpu.memory_space<vmem>>
        %dma_wait3A_156 = arith.constant 0 : i32
        %dma_wait3A_157 = arith.constant 0 : i32
        %dma_wait3A_158 = tpu.memref_slice %arg11[%dma_wait3A_156, %dma_wait3A_157] : memref<10240x128xf32, #tpu.memory_space<vmem_shared>> -> memref<10240x128xf32, #tpu.memory_space<vmem_shared>>
        tpu.wait_indirect_dma semaphore(%run_scoped3A_146 : memref<!tpu.dma_semaphore, #tpu.memory_space<semaphore_mem>>) src(%arg10 : memref<128x128xf32, #tpu.memory_space<vmem>>) dst(%dma_wait3A_158 : memref<10240x128xf32, #tpu.memory_space<vmem_shared>>)
        tpu.yield
      }) : () -> ()
      %scan3A_145 = arith.constant 0 : i32
      scf.yield %scan3A_145 : i32
    }
    %scan3A_64 = arith.constant 19 : i32
    %dma_start3A_65 = arith.constant 39 : i32
    %dma_start3A_66 = arith.constant 0 : i32
    %dma_start3A_67 = tpu.memref_slice %arg7[%dma_start3A_65, %dma_start3A_66] : memref<40x128xi32, #tpu.memory_space<vmem>> -> memref<1x128xi32, #tpu.memory_space<vmem>>
    %dma_start3A_68 = tpu.memref_squeeze %dma_start3A_67 : memref<1x128xi32, #tpu.memory_space<vmem>> -> memref<128xi32, #tpu.memory_space<vmem>>
    %dma_start3A_69 = arith.constant 0 : i32
    %dma_start3A_70 = arith.constant 0 : i32
    %dma_start3A_71 = tpu.memref_slice %arg2[%dma_start3A_69, %dma_start3A_70] : memref<20224x128xf32, #tpu.memory_space<hbm>> -> memref<20224x128xf32, #tpu.memory_space<hbm>>
    tpu.enqueue_indirect_dma source(%dma_start3A_71 : memref<20224x128xf32, #tpu.memory_space<hbm>>) target(%arg10 : memref<128x128xf32, #tpu.memory_space<vmem>>) offsets(%dma_start3A_68 : memref<128xi32, #tpu.memory_space<vmem>>) semaphore(%arg13 : memref<!tpu.dma_semaphore, #tpu.memory_space<semaphore_mem>>)
    %dma_wait3A_72 = arith.constant 38 : i32
    %dma_wait3A_73 = arith.constant 0 : i32
    %dma_wait3A_74 = tpu.memref_slice %arg7[%dma_wait3A_72, %dma_wait3A_73] : memref<40x128xi32, #tpu.memory_space<vmem>> -> memref<1x128xi32, #tpu.memory_space<vmem>>
    %dma_wait3A_75 = tpu.memref_squeeze %dma_wait3A_74 : memref<1x128xi32, #tpu.memory_space<vmem>> -> memref<128xi32, #tpu.memory_space<vmem>>
    %dma_wait3A_76 = arith.constant 0 : i32
    %dma_wait3A_77 = arith.constant 0 : i32
    %dma_wait3A_78 = tpu.memref_slice %arg2[%dma_wait3A_76, %dma_wait3A_77] : memref<20224x128xf32, #tpu.memory_space<hbm>> -> memref<20224x128xf32, #tpu.memory_space<hbm>>
    tpu.wait_indirect_dma semaphore(%arg12 : memref<!tpu.dma_semaphore, #tpu.memory_space<semaphore_mem>>) src(%dma_wait3A_78 : memref<20224x128xf32, #tpu.memory_space<hbm>>) dst(%arg9 : memref<128x128xf32, #tpu.memory_space<vmem>>)
    %run_scoped3A_79 = arith.constant 38 : i32
    "tpu.region"() ({
      %run_scoped3A_109 = tpu.sem_alloc : memref<!tpu.dma_semaphore, #tpu.memory_space<semaphore_mem>>
      %dma_start3A_110 = arith.constant 0 : i32
      %dma_start3A_111 = tpu.memref_slice %arg8[%run_scoped3A_79, %dma_start3A_110] : memref<40x128xi32, #tpu.memory_space<vmem>> -> memref<1x128xi32, #tpu.memory_space<vmem>>
      %dma_start3A_112 = tpu.memref_squeeze %dma_start3A_111 : memref<1x128xi32, #tpu.memory_space<vmem>> -> memref<128xi32, #tpu.memory_space<vmem>>
      %dma_start3A_113 = arith.constant 0 : i32
      %dma_start3A_114 = arith.constant 0 : i32
      %dma_start3A_115 = tpu.memref_slice %arg11[%dma_start3A_113, %dma_start3A_114] : memref<10240x128xf32, #tpu.memory_space<vmem_shared>> -> memref<10240x128xf32, #tpu.memory_space<vmem_shared>>
      tpu.enqueue_indirect_dma source(%arg9 : memref<128x128xf32, #tpu.memory_space<vmem>>) target(%dma_start3A_115 : memref<10240x128xf32, #tpu.memory_space<vmem_shared>>) offsets(%dma_start3A_112 : memref<128xi32, #tpu.memory_space<vmem>>) semaphore(%run_scoped3A_109 : memref<!tpu.dma_semaphore, #tpu.memory_space<semaphore_mem>>) {add = true}
      %dma_wait3A_116 = arith.constant 0 : i32
      %dma_wait3A_117 = tpu.memref_slice %arg8[%run_scoped3A_79, %dma_wait3A_116] : memref<40x128xi32, #tpu.memory_space<vmem>> -> memref<1x128xi32, #tpu.memory_space<vmem>>
      %dma_wait3A_118 = tpu.memref_squeeze %dma_wait3A_117 : memref<1x128xi32, #tpu.memory_space<vmem>> -> memref<128xi32, #tpu.memory_space<vmem>>
      %dma_wait3A_119 = arith.constant 0 : i32
      %dma_wait3A_120 = arith.constant 0 : i32
      %dma_wait3A_121 = tpu.memref_slice %arg11[%dma_wait3A_119, %dma_wait3A_120] : memref<10240x128xf32, #tpu.memory_space<vmem_shared>> -> memref<10240x128xf32, #tpu.memory_space<vmem_shared>>
      tpu.wait_indirect_dma semaphore(%run_scoped3A_109 : memref<!tpu.dma_semaphore, #tpu.memory_space<semaphore_mem>>) src(%arg9 : memref<128x128xf32, #tpu.memory_space<vmem>>) dst(%dma_wait3A_121 : memref<10240x128xf32, #tpu.memory_space<vmem_shared>>)
      tpu.yield
    }) : () -> ()
    %dma_wait3A_80 = arith.constant 39 : i32
    %dma_wait3A_81 = arith.constant 0 : i32
    %dma_wait3A_82 = tpu.memref_slice %arg7[%dma_wait3A_80, %dma_wait3A_81] : memref<40x128xi32, #tpu.memory_space<vmem>> -> memref<1x128xi32, #tpu.memory_space<vmem>>
    %dma_wait3A_83 = tpu.memref_squeeze %dma_wait3A_82 : memref<1x128xi32, #tpu.memory_space<vmem>> -> memref<128xi32, #tpu.memory_space<vmem>>
    %dma_wait3A_84 = arith.constant 0 : i32
    %dma_wait3A_85 = arith.constant 0 : i32
    %dma_wait3A_86 = tpu.memref_slice %arg2[%dma_wait3A_84, %dma_wait3A_85] : memref<20224x128xf32, #tpu.memory_space<hbm>> -> memref<20224x128xf32, #tpu.memory_space<hbm>>
    tpu.wait_indirect_dma semaphore(%arg13 : memref<!tpu.dma_semaphore, #tpu.memory_space<semaphore_mem>>) src(%dma_wait3A_86 : memref<20224x128xf32, #tpu.memory_space<hbm>>) dst(%arg10 : memref<128x128xf32, #tpu.memory_space<vmem>>)
    %run_scoped3A_87 = arith.constant 39 : i32
    "tpu.region"() ({
      %run_scoped3A_109 = tpu.sem_alloc : memref<!tpu.dma_semaphore, #tpu.memory_space<semaphore_mem>>
      %dma_start3A_110 = arith.constant 0 : i32
      %dma_start3A_111 = tpu.memref_slice %arg8[%run_scoped3A_87, %dma_start3A_110] : memref<40x128xi32, #tpu.memory_space<vmem>> -> memref<1x128xi32, #tpu.memory_space<vmem>>
      %dma_start3A_112 = tpu.memref_squeeze %dma_start3A_111 : memref<1x128xi32, #tpu.memory_space<vmem>> -> memref<128xi32, #tpu.memory_space<vmem>>
      %dma_start3A_113 = arith.constant 0 : i32
      %dma_start3A_114 = arith.constant 0 : i32
      %dma_start3A_115 = tpu.memref_slice %arg11[%dma_start3A_113, %dma_start3A_114] : memref<10240x128xf32, #tpu.memory_space<vmem_shared>> -> memref<10240x128xf32, #tpu.memory_space<vmem_shared>>
      tpu.enqueue_indirect_dma source(%arg10 : memref<128x128xf32, #tpu.memory_space<vmem>>) target(%dma_start3A_115 : memref<10240x128xf32, #tpu.memory_space<vmem_shared>>) offsets(%dma_start3A_112 : memref<128xi32, #tpu.memory_space<vmem>>) semaphore(%run_scoped3A_109 : memref<!tpu.dma_semaphore, #tpu.memory_space<semaphore_mem>>) {add = true}
      %dma_wait3A_116 = arith.constant 0 : i32
      %dma_wait3A_117 = tpu.memref_slice %arg8[%run_scoped3A_87, %dma_wait3A_116] : memref<40x128xi32, #tpu.memory_space<vmem>> -> memref<1x128xi32, #tpu.memory_space<vmem>>
      %dma_wait3A_118 = tpu.memref_squeeze %dma_wait3A_117 : memref<1x128xi32, #tpu.memory_space<vmem>> -> memref<128xi32, #tpu.memory_space<vmem>>
      %dma_wait3A_119 = arith.constant 0 : i32
      %dma_wait3A_120 = arith.constant 0 : i32
      %dma_wait3A_121 = tpu.memref_slice %arg11[%dma_wait3A_119, %dma_wait3A_120] : memref<10240x128xf32, #tpu.memory_space<vmem_shared>> -> memref<10240x128xf32, #tpu.memory_space<vmem_shared>>
      tpu.wait_indirect_dma semaphore(%run_scoped3A_109 : memref<!tpu.dma_semaphore, #tpu.memory_space<semaphore_mem>>) src(%arg10 : memref<128x128xf32, #tpu.memory_space<vmem>>) dst(%dma_wait3A_121 : memref<10240x128xf32, #tpu.memory_space<vmem_shared>>)
      tpu.yield
    }) : () -> ()
    %barrier3A_88 = arith.constant 0 : index
    tpu.barrier barrier_id(%barrier3A_88)
    %add3A_89 = arith.constant 0 : i32
    %add3A_90 = arith.addi %mul3A_0, %add3A_89 : i32
    "tpu.region"() ({
      %run_scoped3A_109 = tpu.sem_alloc : memref<!tpu.dma_semaphore, #tpu.memory_space<semaphore_mem>>
      %dma_start3A_110 = arith.constant 0 : i32
      %dma_start3A_111 = tpu.memref_slice %arg11[%add3A_90, %dma_start3A_110] : memref<10240x128xf32, #tpu.memory_space<vmem_shared>> -> memref<128x128xf32, #tpu.memory_space<vmem_shared>>
      %dma_start3A_112 = arith.constant 0 : i32
      %dma_start3A_113 = tpu.memref_slice %arg11[%add3A_90, %dma_start3A_112] : memref<10240x128xf32, #tpu.memory_space<vmem_shared>> -> memref<128x128xf32, #tpu.memory_space<vmem_shared>>
      tpu.enqueue_dma source(%dma_start3A_113 : memref<128x128xf32, #tpu.memory_space<vmem_shared>>) target(%arg9 : memref<128x128xf32, #tpu.memory_space<vmem>>) target_semaphore(%run_scoped3A_109 : memref<!tpu.dma_semaphore, #tpu.memory_space<semaphore_mem>>)
      %dma_wait3A_114 = arith.constant 0 : i32
      %dma_wait3A_115 = tpu.memref_slice %arg11[%add3A_90, %dma_wait3A_114] : memref<10240x128xf32, #tpu.memory_space<vmem_shared>> -> memref<128x128xf32, #tpu.memory_space<vmem_shared>>
      %dma_wait3A_116 = arith.constant 0 : i32
      %dma_wait3A_117 = tpu.memref_slice %arg11[%add3A_90, %dma_wait3A_116] : memref<10240x128xf32, #tpu.memory_space<vmem_shared>> -> memref<128x128xf32, #tpu.memory_space<vmem_shared>>
      tpu.wait_dma2 semaphore(%run_scoped3A_109 : memref<!tpu.dma_semaphore, #tpu.memory_space<semaphore_mem>>) src(%dma_wait3A_117 : memref<128x128xf32, #tpu.memory_space<vmem_shared>>) dst(%arg9 : memref<128x128xf32, #tpu.memory_space<vmem>>)
      tpu.yield
    }) : () -> ()
    %add3A_91 = arith.constant 0 : i32
    %add3A_92 = arith.addi %mul3A_0, %add3A_91 : i32
    "tpu.region"() ({
      %run_scoped3A_109 = tpu.sem_alloc : memref<!tpu.dma_semaphore, #tpu.memory_space<semaphore_mem>>
      %dma_start3A_110 = arith.constant 0 : i32
      %dma_start3A_111 = tpu.memref_slice %arg6[%arg0, %add3A_92, %dma_start3A_110] : memref<2x10240x128xf32, #tpu.memory_space<hbm>> -> memref<1x128x128xf32, #tpu.memory_space<hbm>>
      %dma_start3A_112 = tpu.memref_squeeze %dma_start3A_111 : memref<1x128x128xf32, #tpu.memory_space<hbm>> -> memref<128x128xf32, #tpu.memory_space<hbm>>
      %dma_start3A_113 = arith.constant 0 : i32
      %dma_start3A_114 = tpu.memref_slice %arg6[%arg0, %add3A_92, %dma_start3A_113] : memref<2x10240x128xf32, #tpu.memory_space<hbm>> -> memref<1x128x128xf32, #tpu.memory_space<hbm>>
      %dma_start3A_115 = tpu.memref_squeeze %dma_start3A_114 : memref<1x128x128xf32, #tpu.memory_space<hbm>> -> memref<128x128xf32, #tpu.memory_space<hbm>>
      tpu.enqueue_dma source(%arg9 : memref<128x128xf32, #tpu.memory_space<vmem>>) target(%dma_start3A_115 : memref<128x128xf32, #tpu.memory_space<hbm>>) target_semaphore(%run_scoped3A_109 : memref<!tpu.dma_semaphore, #tpu.memory_space<semaphore_mem>>)
      %dma_wait3A_116 = arith.constant 0 : i32
      %dma_wait3A_117 = tpu.memref_slice %arg6[%arg0, %add3A_92, %dma_wait3A_116] : memref<2x10240x128xf32, #tpu.memory_space<hbm>> -> memref<1x128x128xf32, #tpu.memory_space<hbm>>
      %dma_wait3A_118 = tpu.memref_squeeze %dma_wait3A_117 : memref<1x128x128xf32, #tpu.memory_space<hbm>> -> memref<128x128xf32, #tpu.memory_space<hbm>>
      %dma_wait3A_119 = arith.constant 0 : i32
      %dma_wait3A_120 = tpu.memref_slice %arg6[%arg0, %add3A_92, %dma_wait3A_119] : memref<2x10240x128xf32, #tpu.memory_space<hbm>> -> memref<1x128x128xf32, #tpu.memory_space<hbm>>
      %dma_wait3A_121 = tpu.memref_squeeze %dma_wait3A_120 : memref<1x128x128xf32, #tpu.memory_space<hbm>> -> memref<128x128xf32, #tpu.memory_space<hbm>>
      tpu.wait_dma2 semaphore(%run_scoped3A_109 : memref<!tpu.dma_semaphore, #tpu.memory_space<semaphore_mem>>) src(%arg9 : memref<128x128xf32, #tpu.memory_space<vmem>>) dst(%dma_wait3A_121 : memref<128x128xf32, #tpu.memory_space<hbm>>)
      tpu.yield
    }) : () -> ()
    %add3A_93 = arith.constant 128 : i32
    %add3A_94 = arith.addi %mul3A_0, %add3A_93 : i32
    "tpu.region"() ({
      %run_scoped3A_109 = tpu.sem_alloc : memref<!tpu.dma_semaphore, #tpu.memory_space<semaphore_mem>>
      %dma_start3A_110 = arith.constant 0 : i32
      %dma_start3A_111 = tpu.memref_slice %arg11[%add3A_94, %dma_start3A_110] : memref<10240x128xf32, #tpu.memory_space<vmem_shared>> -> memref<128x128xf32, #tpu.memory_space<vmem_shared>>
      %dma_start3A_112 = arith.constant 0 : i32
      %dma_start3A_113 = tpu.memref_slice %arg11[%add3A_94, %dma_start3A_112] : memref<10240x128xf32, #tpu.memory_space<vmem_shared>> -> memref<128x128xf32, #tpu.memory_space<vmem_shared>>
      tpu.enqueue_dma source(%dma_start3A_113 : memref<128x128xf32, #tpu.memory_space<vmem_shared>>) target(%arg9 : memref<128x128xf32, #tpu.memory_space<vmem>>) target_semaphore(%run_scoped3A_109 : memref<!tpu.dma_semaphore, #tpu.memory_space<semaphore_mem>>)
      %dma_wait3A_114 = arith.constant 0 : i32
      %dma_wait3A_115 = tpu.memref_slice %arg11[%add3A_94, %dma_wait3A_114] : memref<10240x128xf32, #tpu.memory_space<vmem_shared>> -> memref<128x128xf32, #tpu.memory_space<vmem_shared>>
      %dma_wait3A_116 = arith.constant 0 : i32
      %dma_wait3A_117 = tpu.memref_slice %arg11[%add3A_94, %dma_wait3A_116] : memref<10240x128xf32, #tpu.memory_space<vmem_shared>> -> memref<128x128xf32, #tpu.memory_space<vmem_shared>>
      tpu.wait_dma2 semaphore(%run_scoped3A_109 : memref<!tpu.dma_semaphore, #tpu.memory_space<semaphore_mem>>) src(%dma_wait3A_117 : memref<128x128xf32, #tpu.memory_space<vmem_shared>>) dst(%arg9 : memref<128x128xf32, #tpu.memory_space<vmem>>)
      tpu.yield
    }) : () -> ()
    %add3A_95 = arith.constant 128 : i32
    %add3A_96 = arith.addi %mul3A_0, %add3A_95 : i32
    "tpu.region"() ({
      %run_scoped3A_109 = tpu.sem_alloc : memref<!tpu.dma_semaphore, #tpu.memory_space<semaphore_mem>>
      %dma_start3A_110 = arith.constant 0 : i32
      %dma_start3A_111 = tpu.memref_slice %arg6[%arg0, %add3A_96, %dma_start3A_110] : memref<2x10240x128xf32, #tpu.memory_space<hbm>> -> memref<1x128x128xf32, #tpu.memory_space<hbm>>
      %dma_start3A_112 = tpu.memref_squeeze %dma_start3A_111 : memref<1x128x128xf32, #tpu.memory_space<hbm>> -> memref<128x128xf32, #tpu.memory_space<hbm>>
      %dma_start3A_113 = arith.constant 0 : i32
      %dma_start3A_114 = tpu.memref_slice %arg6[%arg0, %add3A_96, %dma_start3A_113] : memref<2x10240x128xf32, #tpu.memory_space<hbm>> -> memref<1x128x128xf32, #tpu.memory_space<hbm>>
      %dma_start3A_115 = tpu.memref_squeeze %dma_start3A_114 : memref<1x128x128xf32, #tpu.memory_space<hbm>> -> memref<128x128xf32, #tpu.memory_space<hbm>>
      tpu.enqueue_dma source(%arg9 : memref<128x128xf32, #tpu.memory_space<vmem>>) target(%dma_start3A_115 : memref<128x128xf32, #tpu.memory_space<hbm>>) target_semaphore(%run_scoped3A_109 : memref<!tpu.dma_semaphore, #tpu.memory_space<semaphore_mem>>)
      %dma_wait3A_116 = arith.constant 0 : i32
      %dma_wait3A_117 = tpu.memref_slice %arg6[%arg0, %add3A_96, %dma_wait3A_116] : memref<2x10240x128xf32, #tpu.memory_space<hbm>> -> memref<1x128x128xf32, #tpu.memory_space<hbm>>
      %dma_wait3A_118 = tpu.memref_squeeze %dma_wait3A_117 : memref<1x128x128xf32, #tpu.memory_space<hbm>> -> memref<128x128xf32, #tpu.memory_space<hbm>>
      %dma_wait3A_119 = arith.constant 0 : i32
      %dma_wait3A_120 = tpu.memref_slice %arg6[%arg0, %add3A_96, %dma_wait3A_119] : memref<2x10240x128xf32, #tpu.memory_space<hbm>> -> memref<1x128x128xf32, #tpu.memory_space<hbm>>
      %dma_wait3A_121 = tpu.memref_squeeze %dma_wait3A_120 : memref<1x128x128xf32, #tpu.memory_space<hbm>> -> memref<128x128xf32, #tpu.memory_space<hbm>>
      tpu.wait_dma2 semaphore(%run_scoped3A_109 : memref<!tpu.dma_semaphore, #tpu.memory_space<semaphore_mem>>) src(%arg9 : memref<128x128xf32, #tpu.memory_space<vmem>>) dst(%dma_wait3A_121 : memref<128x128xf32, #tpu.memory_space<hbm>>)
      tpu.yield
    }) : () -> ()
    %add3A_97 = arith.constant 256 : i32
    %add3A_98 = arith.addi %mul3A_0, %add3A_97 : i32
    "tpu.region"() ({
      %run_scoped3A_109 = tpu.sem_alloc : memref<!tpu.dma_semaphore, #tpu.memory_space<semaphore_mem>>
      %dma_start3A_110 = arith.constant 0 : i32
      %dma_start3A_111 = tpu.memref_slice %arg11[%add3A_98, %dma_start3A_110] : memref<10240x128xf32, #tpu.memory_space<vmem_shared>> -> memref<128x128xf32, #tpu.memory_space<vmem_shared>>
      %dma_start3A_112 = arith.constant 0 : i32
      %dma_start3A_113 = tpu.memref_slice %arg11[%add3A_98, %dma_start3A_112] : memref<10240x128xf32, #tpu.memory_space<vmem_shared>> -> memref<128x128xf32, #tpu.memory_space<vmem_shared>>
      tpu.enqueue_dma source(%dma_start3A_113 : memref<128x128xf32, #tpu.memory_space<vmem_shared>>) target(%arg9 : memref<128x128xf32, #tpu.memory_space<vmem>>) target_semaphore(%run_scoped3A_109 : memref<!tpu.dma_semaphore, #tpu.memory_space<semaphore_mem>>)
      %dma_wait3A_114 = arith.constant 0 : i32
      %dma_wait3A_115 = tpu.memref_slice %arg11[%add3A_98, %dma_wait3A_114] : memref<10240x128xf32, #tpu.memory_space<vmem_shared>> -> memref<128x128xf32, #tpu.memory_space<vmem_shared>>
      %dma_wait3A_116 = arith.constant 0 : i32
      %dma_wait3A_117 = tpu.memref_slice %arg11[%add3A_98, %dma_wait3A_116] : memref<10240x128xf32, #tpu.memory_space<vmem_shared>> -> memref<128x128xf32, #tpu.memory_space<vmem_shared>>
      tpu.wait_dma2 semaphore(%run_scoped3A_109 : memref<!tpu.dma_semaphore, #tpu.memory_space<semaphore_mem>>) src(%dma_wait3A_117 : memref<128x128xf32, #tpu.memory_space<vmem_shared>>) dst(%arg9 : memref<128x128xf32, #tpu.memory_space<vmem>>)
      tpu.yield
    }) : () -> ()
    %add3A_99 = arith.constant 256 : i32
    %add3A_100 = arith.addi %mul3A_0, %add3A_99 : i32
    "tpu.region"() ({
      %run_scoped3A_109 = tpu.sem_alloc : memref<!tpu.dma_semaphore, #tpu.memory_space<semaphore_mem>>
      %dma_start3A_110 = arith.constant 0 : i32
      %dma_start3A_111 = tpu.memref_slice %arg6[%arg0, %add3A_100, %dma_start3A_110] : memref<2x10240x128xf32, #tpu.memory_space<hbm>> -> memref<1x128x128xf32, #tpu.memory_space<hbm>>
      %dma_start3A_112 = tpu.memref_squeeze %dma_start3A_111 : memref<1x128x128xf32, #tpu.memory_space<hbm>> -> memref<128x128xf32, #tpu.memory_space<hbm>>
      %dma_start3A_113 = arith.constant 0 : i32
      %dma_start3A_114 = tpu.memref_slice %arg6[%arg0, %add3A_100, %dma_start3A_113] : memref<2x10240x128xf32, #tpu.memory_space<hbm>> -> memref<1x128x128xf32, #tpu.memory_space<hbm>>
      %dma_start3A_115 = tpu.memref_squeeze %dma_start3A_114 : memref<1x128x128xf32, #tpu.memory_space<hbm>> -> memref<128x128xf32, #tpu.memory_space<hbm>>
      tpu.enqueue_dma source(%arg9 : memref<128x128xf32, #tpu.memory_space<vmem>>) target(%dma_start3A_115 : memref<128x128xf32, #tpu.memory_space<hbm>>) target_semaphore(%run_scoped3A_109 : memref<!tpu.dma_semaphore, #tpu.memory_space<semaphore_mem>>)
      %dma_wait3A_116 = arith.constant 0 : i32
      %dma_wait3A_117 = tpu.memref_slice %arg6[%arg0, %add3A_100, %dma_wait3A_116] : memref<2x10240x128xf32, #tpu.memory_space<hbm>> -> memref<1x128x128xf32, #tpu.memory_space<hbm>>
      %dma_wait3A_118 = tpu.memref_squeeze %dma_wait3A_117 : memref<1x128x128xf32, #tpu.memory_space<hbm>> -> memref<128x128xf32, #tpu.memory_space<hbm>>
      %dma_wait3A_119 = arith.constant 0 : i32
      %dma_wait3A_120 = tpu.memref_slice %arg6[%arg0, %add3A_100, %dma_wait3A_119] : memref<2x10240x128xf32, #tpu.memory_space<hbm>> -> memref<1x128x128xf32, #tpu.memory_space<hbm>>
      %dma_wait3A_121 = tpu.memref_squeeze %dma_wait3A_120 : memref<1x128x128xf32, #tpu.memory_space<hbm>> -> memref<128x128xf32, #tpu.memory_space<hbm>>
      tpu.wait_dma2 semaphore(%run_scoped3A_109 : memref<!tpu.dma_semaphore, #tpu.memory_space<semaphore_mem>>) src(%arg9 : memref<128x128xf32, #tpu.memory_space<vmem>>) dst(%dma_wait3A_121 : memref<128x128xf32, #tpu.memory_space<hbm>>)
      tpu.yield
    }) : () -> ()
    %add3A_101 = arith.constant 384 : i32
    %add3A_102 = arith.addi %mul3A_0, %add3A_101 : i32
    "tpu.region"() ({
      %run_scoped3A_109 = tpu.sem_alloc : memref<!tpu.dma_semaphore, #tpu.memory_space<semaphore_mem>>
      %dma_start3A_110 = arith.constant 0 : i32
      %dma_start3A_111 = tpu.memref_slice %arg11[%add3A_102, %dma_start3A_110] : memref<10240x128xf32, #tpu.memory_space<vmem_shared>> -> memref<128x128xf32, #tpu.memory_space<vmem_shared>>
      %dma_start3A_112 = arith.constant 0 : i32
      %dma_start3A_113 = tpu.memref_slice %arg11[%add3A_102, %dma_start3A_112] : memref<10240x128xf32, #tpu.memory_space<vmem_shared>> -> memref<128x128xf32, #tpu.memory_space<vmem_shared>>
      tpu.enqueue_dma source(%dma_start3A_113 : memref<128x128xf32, #tpu.memory_space<vmem_shared>>) target(%arg9 : memref<128x128xf32, #tpu.memory_space<vmem>>) target_semaphore(%run_scoped3A_109 : memref<!tpu.dma_semaphore, #tpu.memory_space<semaphore_mem>>)
      %dma_wait3A_114 = arith.constant 0 : i32
      %dma_wait3A_115 = tpu.memref_slice %arg11[%add3A_102, %dma_wait3A_114] : memref<10240x128xf32, #tpu.memory_space<vmem_shared>> -> memref<128x128xf32, #tpu.memory_space<vmem_shared>>
      %dma_wait3A_116 = arith.constant 0 : i32
      %dma_wait3A_117 = tpu.memref_slice %arg11[%add3A_102, %dma_wait3A_116] : memref<10240x128xf32, #tpu.memory_space<vmem_shared>> -> memref<128x128xf32, #tpu.memory_space<vmem_shared>>
      tpu.wait_dma2 semaphore(%run_scoped3A_109 : memref<!tpu.dma_semaphore, #tpu.memory_space<semaphore_mem>>) src(%dma_wait3A_117 : memref<128x128xf32, #tpu.memory_space<vmem_shared>>) dst(%arg9 : memref<128x128xf32, #tpu.memory_space<vmem>>)
      tpu.yield
    }) : () -> ()
    %add3A_103 = arith.constant 384 : i32
    %add3A_104 = arith.addi %mul3A_0, %add3A_103 : i32
    "tpu.region"() ({
      %run_scoped3A_109 = tpu.sem_alloc : memref<!tpu.dma_semaphore, #tpu.memory_space<semaphore_mem>>
      %dma_start3A_110 = arith.constant 0 : i32
      %dma_start3A_111 = tpu.memref_slice %arg6[%arg0, %add3A_104, %dma_start3A_110] : memref<2x10240x128xf32, #tpu.memory_space<hbm>> -> memref<1x128x128xf32, #tpu.memory_space<hbm>>
      %dma_start3A_112 = tpu.memref_squeeze %dma_start3A_111 : memref<1x128x128xf32, #tpu.memory_space<hbm>> -> memref<128x128xf32, #tpu.memory_space<hbm>>
      %dma_start3A_113 = arith.constant 0 : i32
      %dma_start3A_114 = tpu.memref_slice %arg6[%arg0, %add3A_104, %dma_start3A_113] : memref<2x10240x128xf32, #tpu.memory_space<hbm>> -> memref<1x128x128xf32, #tpu.memory_space<hbm>>
      %dma_start3A_115 = tpu.memref_squeeze %dma_start3A_114 : memref<1x128x128xf32, #tpu.memory_space<hbm>> -> memref<128x128xf32, #tpu.memory_space<hbm>>
      tpu.enqueue_dma source(%arg9 : memref<128x128xf32, #tpu.memory_space<vmem>>) target(%dma_start3A_115 : memref<128x128xf32, #tpu.memory_space<hbm>>) target_semaphore(%run_scoped3A_109 : memref<!tpu.dma_semaphore, #tpu.memory_space<semaphore_mem>>)
      %dma_wait3A_116 = arith.constant 0 : i32
      %dma_wait3A_117 = tpu.memref_slice %arg6[%arg0, %add3A_104, %dma_wait3A_116] : memref<2x10240x128xf32, #tpu.memory_space<hbm>> -> memref<1x128x128xf32, #tpu.memory_space<hbm>>
      %dma_wait3A_118 = tpu.memref_squeeze %dma_wait3A_117 : memref<1x128x128xf32, #tpu.memory_space<hbm>> -> memref<128x128xf32, #tpu.memory_space<hbm>>
      %dma_wait3A_119 = arith.constant 0 : i32
      %dma_wait3A_120 = tpu.memref_slice %arg6[%arg0, %add3A_104, %dma_wait3A_119] : memref<2x10240x128xf32, #tpu.memory_space<hbm>> -> memref<1x128x128xf32, #tpu.memory_space<hbm>>
      %dma_wait3A_121 = tpu.memref_squeeze %dma_wait3A_120 : memref<1x128x128xf32, #tpu.memory_space<hbm>> -> memref<128x128xf32, #tpu.memory_space<hbm>>
      tpu.wait_dma2 semaphore(%run_scoped3A_109 : memref<!tpu.dma_semaphore, #tpu.memory_space<semaphore_mem>>) src(%arg9 : memref<128x128xf32, #tpu.memory_space<vmem>>) dst(%dma_wait3A_121 : memref<128x128xf32, #tpu.memory_space<hbm>>)
      tpu.yield
    }) : () -> ()
    %add3A_105 = arith.constant 512 : i32
    %add3A_106 = arith.addi %mul3A_0, %add3A_105 : i32
    "tpu.region"() ({
      %run_scoped3A_109 = tpu.sem_alloc : memref<!tpu.dma_semaphore, #tpu.memory_space<semaphore_mem>>
      %dma_start3A_110 = arith.constant 0 : i32
      %dma_start3A_111 = tpu.memref_slice %arg11[%add3A_106, %dma_start3A_110] : memref<10240x128xf32, #tpu.memory_space<vmem_shared>> -> memref<128x128xf32, #tpu.memory_space<vmem_shared>>
      %dma_start3A_112 = arith.constant 0 : i32
      %dma_start3A_113 = tpu.memref_slice %arg11[%add3A_106, %dma_start3A_112] : memref<10240x128xf32, #tpu.memory_space<vmem_shared>> -> memref<128x128xf32, #tpu.memory_space<vmem_shared>>
      tpu.enqueue_dma source(%dma_start3A_113 : memref<128x128xf32, #tpu.memory_space<vmem_shared>>) target(%arg9 : memref<128x128xf32, #tpu.memory_space<vmem>>) target_semaphore(%run_scoped3A_109 : memref<!tpu.dma_semaphore, #tpu.memory_space<semaphore_mem>>)
      %dma_wait3A_114 = arith.constant 0 : i32
      %dma_wait3A_115 = tpu.memref_slice %arg11[%add3A_106, %dma_wait3A_114] : memref<10240x128xf32, #tpu.memory_space<vmem_shared>> -> memref<128x128xf32, #tpu.memory_space<vmem_shared>>
      %dma_wait3A_116 = arith.constant 0 : i32
      %dma_wait3A_117 = tpu.memref_slice %arg11[%add3A_106, %dma_wait3A_116] : memref<10240x128xf32, #tpu.memory_space<vmem_shared>> -> memref<128x128xf32, #tpu.memory_space<vmem_shared>>
      tpu.wait_dma2 semaphore(%run_scoped3A_109 : memref<!tpu.dma_semaphore, #tpu.memory_space<semaphore_mem>>) src(%dma_wait3A_117 : memref<128x128xf32, #tpu.memory_space<vmem_shared>>) dst(%arg9 : memref<128x128xf32, #tpu.memory_space<vmem>>)
      tpu.yield
    }) : () -> ()
    %add3A_107 = arith.constant 512 : i32
    %add3A_108 = arith.addi %mul3A_0, %add3A_107 : i32
    "tpu.region"() ({
      %run_scoped3A_109 = tpu.sem_alloc : memref<!tpu.dma_semaphore, #tpu.memory_space<semaphore_mem>>
      %dma_start3A_110 = arith.constant 0 : i32
      %dma_start3A_111 = tpu.memref_slice %arg6[%arg0, %add3A_108, %dma_start3A_110] : memref<2x10240x128xf32, #tpu.memory_space<hbm>> -> memref<1x128x128xf32, #tpu.memory_space<hbm>>
      %dma_start3A_112 = tpu.memref_squeeze %dma_start3A_111 : memref<1x128x128xf32, #tpu.memory_space<hbm>> -> memref<128x128xf32, #tpu.memory_space<hbm>>
      %dma_start3A_113 = arith.constant 0 : i32
      %dma_start3A_114 = tpu.memref_slice %arg6[%arg0, %add3A_108, %dma_start3A_113] : memref<2x10240x128xf32, #tpu.memory_space<hbm>> -> memref<1x128x128xf32, #tpu.memory_space<hbm>>
      %dma_start3A_115 = tpu.memref_squeeze %dma_start3A_114 : memref<1x128x128xf32, #tpu.memory_space<hbm>> -> memref<128x128xf32, #tpu.memory_space<hbm>>
      tpu.enqueue_dma source(%arg9 : memref<128x128xf32, #tpu.memory_space<vmem>>) target(%dma_start3A_115 : memref<128x128xf32, #tpu.memory_space<hbm>>) target_semaphore(%run_scoped3A_109 : memref<!tpu.dma_semaphore, #tpu.memory_space<semaphore_mem>>)
      %dma_wait3A_116 = arith.constant 0 : i32
      %dma_wait3A_117 = tpu.memref_slice %arg6[%arg0, %add3A_108, %dma_wait3A_116] : memref<2x10240x128xf32, #tpu.memory_space<hbm>> -> memref<1x128x128xf32, #tpu.memory_space<hbm>>
      %dma_wait3A_118 = tpu.memref_squeeze %dma_wait3A_117 : memref<1x128x128xf32, #tpu.memory_space<hbm>> -> memref<128x128xf32, #tpu.memory_space<hbm>>
      %dma_wait3A_119 = arith.constant 0 : i32
      %dma_wait3A_120 = tpu.memref_slice %arg6[%arg0, %add3A_108, %dma_wait3A_119] : memref<2x10240x128xf32, #tpu.memory_space<hbm>> -> memref<1x128x128xf32, #tpu.memory_space<hbm>>
      %dma_wait3A_121 = tpu.memref_squeeze %dma_wait3A_120 : memref<1x128x128xf32, #tpu.memory_space<hbm>> -> memref<128x128xf32, #tpu.memory_space<hbm>>
      tpu.wait_dma2 semaphore(%run_scoped3A_109 : memref<!tpu.dma_semaphore, #tpu.memory_space<semaphore_mem>>) src(%arg9 : memref<128x128xf32, #tpu.memory_space<vmem>>) dst(%dma_wait3A_121 : memref<128x128xf32, #tpu.memory_space<hbm>>)
      tpu.yield
    }) : () -> ()
    return
  }
}

module attributes {stable_mosaic.version = 14 : i64} {
  func.func @_topk_body(%arg0: memref<80x128xf32, #tpu.memory_space<vmem>>, %arg1: memref<1x256xf32, #tpu.memory_space<vmem>>, %arg2: memref<1x256xi32, #tpu.memory_space<vmem>>) attributes {dimension_semantics = [], scalar_prefetch = 0 : i64, scratch_operands = 0 : i64, tpu.core_type = #tpu.core_type<tc>} {
    %iota3A = tpu.iota {dimensions = array<i32: 0>} : vector<8x128xi32>
    %iota3A_0 = tpu.iota {dimensions = array<i32: 1>} : vector<8x128xi32>
    %add3A = arith.constant 0 : i32
    %add3A_1 = vector.broadcast %add3A : i32 to vector<8x128xi32>
    %add3A_2 = arith.addi %iota3A, %add3A_1 : vector<8x128xi32>
    %mul3A = arith.constant 128 : i32
    %mul3A_3 = vector.broadcast %mul3A : i32 to vector<8x128xi32>
    %mul3A_4 = arith.muli %add3A_2, %mul3A_3 : vector<8x128xi32>
    %add3A_5 = arith.addi %mul3A_4, %iota3A_0 : vector<8x128xi32>
    %add3A_6 = arith.constant 8 : i32
    %add3A_7 = vector.broadcast %add3A_6 : i32 to vector<8x128xi32>
    %add3A_8 = arith.addi %iota3A, %add3A_7 : vector<8x128xi32>
    %mul3A_9 = arith.constant 128 : i32
    %mul3A_10 = vector.broadcast %mul3A_9 : i32 to vector<8x128xi32>
    %mul3A_11 = arith.muli %add3A_8, %mul3A_10 : vector<8x128xi32>
    %add3A_12 = arith.addi %mul3A_11, %iota3A_0 : vector<8x128xi32>
    %add3A_13 = arith.constant 16 : i32
    %add3A_14 = vector.broadcast %add3A_13 : i32 to vector<8x128xi32>
    %add3A_15 = arith.addi %iota3A, %add3A_14 : vector<8x128xi32>
    %mul3A_16 = arith.constant 128 : i32
    %mul3A_17 = vector.broadcast %mul3A_16 : i32 to vector<8x128xi32>
    %mul3A_18 = arith.muli %add3A_15, %mul3A_17 : vector<8x128xi32>
    %add3A_19 = arith.addi %mul3A_18, %iota3A_0 : vector<8x128xi32>
    %add3A_20 = arith.constant 24 : i32
    %add3A_21 = vector.broadcast %add3A_20 : i32 to vector<8x128xi32>
    %add3A_22 = arith.addi %iota3A, %add3A_21 : vector<8x128xi32>
    %mul3A_23 = arith.constant 128 : i32
    %mul3A_24 = vector.broadcast %mul3A_23 : i32 to vector<8x128xi32>
    %mul3A_25 = arith.muli %add3A_22, %mul3A_24 : vector<8x128xi32>
    %add3A_26 = arith.addi %mul3A_25, %iota3A_0 : vector<8x128xi32>
    %add3A_27 = arith.constant 32 : i32
    %add3A_28 = vector.broadcast %add3A_27 : i32 to vector<8x128xi32>
    %add3A_29 = arith.addi %iota3A, %add3A_28 : vector<8x128xi32>
    %mul3A_30 = arith.constant 128 : i32
    %mul3A_31 = vector.broadcast %mul3A_30 : i32 to vector<8x128xi32>
    %mul3A_32 = arith.muli %add3A_29, %mul3A_31 : vector<8x128xi32>
    %add3A_33 = arith.addi %mul3A_32, %iota3A_0 : vector<8x128xi32>
    %add3A_34 = arith.constant 40 : i32
    %add3A_35 = vector.broadcast %add3A_34 : i32 to vector<8x128xi32>
    %add3A_36 = arith.addi %iota3A, %add3A_35 : vector<8x128xi32>
    %mul3A_37 = arith.constant 128 : i32
    %mul3A_38 = vector.broadcast %mul3A_37 : i32 to vector<8x128xi32>
    %mul3A_39 = arith.muli %add3A_36, %mul3A_38 : vector<8x128xi32>
    %add3A_40 = arith.addi %mul3A_39, %iota3A_0 : vector<8x128xi32>
    %add3A_41 = arith.constant 48 : i32
    %add3A_42 = vector.broadcast %add3A_41 : i32 to vector<8x128xi32>
    %add3A_43 = arith.addi %iota3A, %add3A_42 : vector<8x128xi32>
    %mul3A_44 = arith.constant 128 : i32
    %mul3A_45 = vector.broadcast %mul3A_44 : i32 to vector<8x128xi32>
    %mul3A_46 = arith.muli %add3A_43, %mul3A_45 : vector<8x128xi32>
    %add3A_47 = arith.addi %mul3A_46, %iota3A_0 : vector<8x128xi32>
    %add3A_48 = arith.constant 56 : i32
    %add3A_49 = vector.broadcast %add3A_48 : i32 to vector<8x128xi32>
    %add3A_50 = arith.addi %iota3A, %add3A_49 : vector<8x128xi32>
    %mul3A_51 = arith.constant 128 : i32
    %mul3A_52 = vector.broadcast %mul3A_51 : i32 to vector<8x128xi32>
    %mul3A_53 = arith.muli %add3A_50, %mul3A_52 : vector<8x128xi32>
    %add3A_54 = arith.addi %mul3A_53, %iota3A_0 : vector<8x128xi32>
    %add3A_55 = arith.constant 64 : i32
    %add3A_56 = vector.broadcast %add3A_55 : i32 to vector<8x128xi32>
    %add3A_57 = arith.addi %iota3A, %add3A_56 : vector<8x128xi32>
    %mul3A_58 = arith.constant 128 : i32
    %mul3A_59 = vector.broadcast %mul3A_58 : i32 to vector<8x128xi32>
    %mul3A_60 = arith.muli %add3A_57, %mul3A_59 : vector<8x128xi32>
    %add3A_61 = arith.addi %mul3A_60, %iota3A_0 : vector<8x128xi32>
    %add3A_62 = arith.constant 72 : i32
    %add3A_63 = vector.broadcast %add3A_62 : i32 to vector<8x128xi32>
    %add3A_64 = arith.addi %iota3A, %add3A_63 : vector<8x128xi32>
    %mul3A_65 = arith.constant 128 : i32
    %mul3A_66 = vector.broadcast %mul3A_65 : i32 to vector<8x128xi32>
    %mul3A_67 = arith.muli %add3A_64, %mul3A_66 : vector<8x128xi32>
    %add3A_68 = arith.addi %mul3A_67, %iota3A_0 : vector<8x128xi32>
    %get3A = arith.constant 0 : index
    %get3A_69 = arith.constant 0 : index
    %get3A_70 = vector.load %arg0[%get3A, %get3A_69] : memref<80x128xf32, #tpu.memory_space<vmem>>, vector<8x128xf32>
    %get3A_71 = arith.constant 8 : index
    %get3A_72 = arith.constant 0 : index
    %get3A_73 = vector.load %arg0[%get3A_71, %get3A_72] : memref<80x128xf32, #tpu.memory_space<vmem>>, vector<8x128xf32>
    %get3A_74 = arith.constant 16 : index
    %get3A_75 = arith.constant 0 : index
    %get3A_76 = vector.load %arg0[%get3A_74, %get3A_75] : memref<80x128xf32, #tpu.memory_space<vmem>>, vector<8x128xf32>
    %get3A_77 = arith.constant 24 : index
    %get3A_78 = arith.constant 0 : index
    %get3A_79 = vector.load %arg0[%get3A_77, %get3A_78] : memref<80x128xf32, #tpu.memory_space<vmem>>, vector<8x128xf32>
    %get3A_80 = arith.constant 32 : index
    %get3A_81 = arith.constant 0 : index
    %get3A_82 = vector.load %arg0[%get3A_80, %get3A_81] : memref<80x128xf32, #tpu.memory_space<vmem>>, vector<8x128xf32>
    %get3A_83 = arith.constant 40 : index
    %get3A_84 = arith.constant 0 : index
    %get3A_85 = vector.load %arg0[%get3A_83, %get3A_84] : memref<80x128xf32, #tpu.memory_space<vmem>>, vector<8x128xf32>
    %get3A_86 = arith.constant 48 : index
    %get3A_87 = arith.constant 0 : index
    %get3A_88 = vector.load %arg0[%get3A_86, %get3A_87] : memref<80x128xf32, #tpu.memory_space<vmem>>, vector<8x128xf32>
    %get3A_89 = arith.constant 56 : index
    %get3A_90 = arith.constant 0 : index
    %get3A_91 = vector.load %arg0[%get3A_89, %get3A_90] : memref<80x128xf32, #tpu.memory_space<vmem>>, vector<8x128xf32>
    %get3A_92 = arith.constant 64 : index
    %get3A_93 = arith.constant 0 : index
    %get3A_94 = vector.load %arg0[%get3A_92, %get3A_93] : memref<80x128xf32, #tpu.memory_space<vmem>>, vector<8x128xf32>
    %get3A_95 = arith.constant 72 : index
    %get3A_96 = arith.constant 0 : index
    %get3A_97 = vector.load %arg0[%get3A_95, %get3A_96] : memref<80x128xf32, #tpu.memory_space<vmem>>, vector<8x128xf32>
    %iota3A_98 = tpu.iota {dimensions = array<i32: 1>} : vector<1x256xi32>
    %iota3A_99 = vector.shape_cast %iota3A_98 : vector<1x256xi32> to vector<256xi32>
    %broadcast_in_dim3A = vector.shape_cast %iota3A_99 : vector<256xi32> to vector<1x256xi32>
    %eq3A = arith.constant 255 : i32
    %eq3A_100 = vector.broadcast %eq3A : i32 to vector<1x256xi32>
    %eq3A_101 = arith.cmpi eq, %broadcast_in_dim3A, %eq3A_100 : vector<1x256xi32>
    %broadcast_in_dim3A_102 = arith.constant 0.000000e+00 : f32
    %broadcast_in_dim3A_103 = vector.broadcast %broadcast_in_dim3A_102 : f32 to vector<1x256xf32>
    %broadcast_in_dim3A_104 = arith.constant 0 : i32
    %broadcast_in_dim3A_105 = vector.broadcast %broadcast_in_dim3A_104 : i32 to vector<1x256xi32>
    %scan3A = arith.constant 1073741824 : i32
    %scan3A_106 = arith.constant 0 : i32
    %scan3A_107 = arith.constant 256 : i32
    %scan3A_108 = arith.addi %scan3A_106, %scan3A_107 : i32
    %scan3A_109 = arith.constant 1 : i32
    %scan3A_110:12 = scf.for %scan3A_116 = %scan3A_106 to %scan3A_108 step %scan3A_109 iter_args(%scan3A_117 = %get3A_70, %scan3A_118 = %get3A_73, %scan3A_119 = %get3A_76, %scan3A_120 = %get3A_79, %scan3A_121 = %get3A_82, %scan3A_122 = %get3A_85, %scan3A_123 = %get3A_88, %scan3A_124 = %get3A_91, %scan3A_125 = %get3A_94, %scan3A_126 = %get3A_97, %scan3A_127 = %broadcast_in_dim3A_103, %scan3A_128 = %broadcast_in_dim3A_105) -> (vector<8x128xf32>, vector<8x128xf32>, vector<8x128xf32>, vector<8x128xf32>, vector<8x128xf32>, vector<8x128xf32>, vector<8x128xf32>, vector<8x128xf32>, vector<8x128xf32>, vector<8x128xf32>, vector<1x256xf32>, vector<1x256xi32>)  : i32 {
      %gt3A = arith.cmpf ogt, %scan3A_118, %scan3A_117 : vector<8x128xf32>
      %select_n3A = arith.select %gt3A, %scan3A_118, %scan3A_117 : vector<8x128xi1>, vector<8x128xf32>
      %select_n3A_129 = arith.select %gt3A, %add3A_12, %add3A_5 : vector<8x128xi1>, vector<8x128xi32>
      %gt3A_130 = arith.cmpf ogt, %scan3A_119, %select_n3A : vector<8x128xf32>
      %select_n3A_131 = arith.select %gt3A_130, %scan3A_119, %select_n3A : vector<8x128xi1>, vector<8x128xf32>
      %select_n3A_132 = arith.select %gt3A_130, %add3A_19, %select_n3A_129 : vector<8x128xi1>, vector<8x128xi32>
      %gt3A_133 = arith.cmpf ogt, %scan3A_120, %select_n3A_131 : vector<8x128xf32>
      %select_n3A_134 = arith.select %gt3A_133, %scan3A_120, %select_n3A_131 : vector<8x128xi1>, vector<8x128xf32>
      %select_n3A_135 = arith.select %gt3A_133, %add3A_26, %select_n3A_132 : vector<8x128xi1>, vector<8x128xi32>
      %gt3A_136 = arith.cmpf ogt, %scan3A_121, %select_n3A_134 : vector<8x128xf32>
      %select_n3A_137 = arith.select %gt3A_136, %scan3A_121, %select_n3A_134 : vector<8x128xi1>, vector<8x128xf32>
      %select_n3A_138 = arith.select %gt3A_136, %add3A_33, %select_n3A_135 : vector<8x128xi1>, vector<8x128xi32>
      %gt3A_139 = arith.cmpf ogt, %scan3A_122, %select_n3A_137 : vector<8x128xf32>
      %select_n3A_140 = arith.select %gt3A_139, %scan3A_122, %select_n3A_137 : vector<8x128xi1>, vector<8x128xf32>
      %select_n3A_141 = arith.select %gt3A_139, %add3A_40, %select_n3A_138 : vector<8x128xi1>, vector<8x128xi32>
      %gt3A_142 = arith.cmpf ogt, %scan3A_123, %select_n3A_140 : vector<8x128xf32>
      %select_n3A_143 = arith.select %gt3A_142, %scan3A_123, %select_n3A_140 : vector<8x128xi1>, vector<8x128xf32>
      %select_n3A_144 = arith.select %gt3A_142, %add3A_47, %select_n3A_141 : vector<8x128xi1>, vector<8x128xi32>
      %gt3A_145 = arith.cmpf ogt, %scan3A_124, %select_n3A_143 : vector<8x128xf32>
      %select_n3A_146 = arith.select %gt3A_145, %scan3A_124, %select_n3A_143 : vector<8x128xi1>, vector<8x128xf32>
      %select_n3A_147 = arith.select %gt3A_145, %add3A_54, %select_n3A_144 : vector<8x128xi1>, vector<8x128xi32>
      %gt3A_148 = arith.cmpf ogt, %scan3A_125, %select_n3A_146 : vector<8x128xf32>
      %select_n3A_149 = arith.select %gt3A_148, %scan3A_125, %select_n3A_146 : vector<8x128xi1>, vector<8x128xf32>
      %select_n3A_150 = arith.select %gt3A_148, %add3A_61, %select_n3A_147 : vector<8x128xi1>, vector<8x128xi32>
      %gt3A_151 = arith.cmpf ogt, %scan3A_126, %select_n3A_149 : vector<8x128xf32>
      %select_n3A_152 = arith.select %gt3A_151, %scan3A_126, %select_n3A_149 : vector<8x128xi1>, vector<8x128xf32>
      %select_n3A_153 = arith.select %gt3A_151, %add3A_68, %select_n3A_150 : vector<8x128xi1>, vector<8x128xi32>
      %reduce_max3A = vector.shape_cast %select_n3A_152 : vector<8x128xf32> to vector<1x8x128xf32>
      %reduce_max3A_154 = arith.constant dense<0xFF800000> : vector<1xf32>
      %reduce_max3A_155 = vector.multi_reduction <maximumf>, %reduce_max3A, %reduce_max3A_154 [1, 2] : vector<1x8x128xf32> to vector<1xf32>
      %reduce_max3A_156 = vector.shape_cast %reduce_max3A_155 : vector<1xf32> to vector<1x1x1xf32>
      %reduce_max3A_157 = vector.extract %reduce_max3A_156[0, 0, 0] : f32 from vector<1x1x1xf32>
      %broadcast_in_dim3A_158 = vector.broadcast %reduce_max3A_157 : f32 to vector<1x1xf32>
      %eq3A_159 = vector.broadcast %broadcast_in_dim3A_158 : vector<1x1xf32> to vector<8x128xf32>
      %eq3A_160 = arith.cmpf oeq, %select_n3A_152, %eq3A_159 : vector<8x128xf32>
      %broadcast_in_dim3A_161 = vector.broadcast %scan3A : i32 to vector<8x128xi32>
      %select_n3A_162 = arith.select %eq3A_160, %select_n3A_153, %broadcast_in_dim3A_161 : vector<8x128xi1>, vector<8x128xi32>
      %reduce_min3A = vector.shape_cast %select_n3A_162 : vector<8x128xi32> to vector<1x8x128xi32>
      %reduce_min3A_163 = arith.constant dense<2147483647> : vector<1xi32>
      %reduce_min3A_164 = vector.multi_reduction <minsi>, %reduce_min3A, %reduce_min3A_163 [1, 2] : vector<1x8x128xi32> to vector<1xi32>
      %reduce_min3A_165 = vector.shape_cast %reduce_min3A_164 : vector<1xi32> to vector<1x1x1xi32>
      %reduce_min3A_166 = vector.extract %reduce_min3A_165[0, 0, 0] : i32 from vector<1x1x1xi32>
      %broadcast_in_dim3A_167 = vector.broadcast %reduce_min3A_166 : i32 to vector<1x1xi32>
      %slice3A = vector.extract_strided_slice %scan3A_127 {offsets = [0, 1], sizes = [1, 255], strides = [1, 1]} : vector<1x256xf32> to vector<1x255xf32>
      %slice3A_168 = vector.extract_strided_slice %scan3A_127 {offsets = [0, 0], sizes = [1, 1], strides = [1, 1]} : vector<1x256xf32> to vector<1x1xf32>
      %concatenate3A = tpu.concatenate %slice3A, %slice3A_168 in 1 : vector<1x255xf32>, vector<1x1xf32> -> vector<1x256xf32>
      %broadcast_in_dim3A_169 = vector.shape_cast %broadcast_in_dim3A_158 : vector<1x1xf32> to vector<1x1xf32>
      %broadcast_in_dim3A_170 = vector.broadcast %broadcast_in_dim3A_169 : vector<1x1xf32> to vector<1x256xf32>
      %select_n3A_171 = arith.select %eq3A_101, %broadcast_in_dim3A_170, %concatenate3A : vector<1x256xi1>, vector<1x256xf32>
      %slice3A_172 = vector.extract_strided_slice %scan3A_128 {offsets = [0, 1], sizes = [1, 255], strides = [1, 1]} : vector<1x256xi32> to vector<1x255xi32>
      %slice3A_173 = vector.extract_strided_slice %scan3A_128 {offsets = [0, 0], sizes = [1, 1], strides = [1, 1]} : vector<1x256xi32> to vector<1x1xi32>
      %concatenate3A_174 = tpu.concatenate %slice3A_172, %slice3A_173 in 1 : vector<1x255xi32>, vector<1x1xi32> -> vector<1x256xi32>
      %broadcast_in_dim3A_175 = vector.shape_cast %broadcast_in_dim3A_167 : vector<1x1xi32> to vector<1x1xi32>
      %broadcast_in_dim3A_176 = vector.broadcast %broadcast_in_dim3A_175 : vector<1x1xi32> to vector<1x256xi32>
      %select_n3A_177 = arith.select %eq3A_101, %broadcast_in_dim3A_176, %concatenate3A_174 : vector<1x256xi1>, vector<1x256xi32>
      %eq3A_178 = vector.broadcast %broadcast_in_dim3A_167 : vector<1x1xi32> to vector<8x128xi32>
      %eq3A_179 = arith.cmpi eq, %add3A_5, %eq3A_178 : vector<8x128xi32>
      %jit3A = arith.constant -2.000000e+00 : f32
      %broadcast_in_dim3A_180 = vector.broadcast %jit3A : f32 to vector<8x128xf32>
      %select_n3A_181 = arith.select %eq3A_179, %broadcast_in_dim3A_180, %scan3A_117 : vector<8x128xi1>, vector<8x128xf32>
      %eq3A_182 = vector.broadcast %broadcast_in_dim3A_167 : vector<1x1xi32> to vector<8x128xi32>
      %eq3A_183 = arith.cmpi eq, %add3A_12, %eq3A_182 : vector<8x128xi32>
      %jit3A_184 = arith.constant -2.000000e+00 : f32
      %broadcast_in_dim3A_185 = vector.broadcast %jit3A_184 : f32 to vector<8x128xf32>
      %select_n3A_186 = arith.select %eq3A_183, %broadcast_in_dim3A_185, %scan3A_118 : vector<8x128xi1>, vector<8x128xf32>
      %eq3A_187 = vector.broadcast %broadcast_in_dim3A_167 : vector<1x1xi32> to vector<8x128xi32>
      %eq3A_188 = arith.cmpi eq, %add3A_19, %eq3A_187 : vector<8x128xi32>
      %jit3A_189 = arith.constant -2.000000e+00 : f32
      %broadcast_in_dim3A_190 = vector.broadcast %jit3A_189 : f32 to vector<8x128xf32>
      %select_n3A_191 = arith.select %eq3A_188, %broadcast_in_dim3A_190, %scan3A_119 : vector<8x128xi1>, vector<8x128xf32>
      %eq3A_192 = vector.broadcast %broadcast_in_dim3A_167 : vector<1x1xi32> to vector<8x128xi32>
      %eq3A_193 = arith.cmpi eq, %add3A_26, %eq3A_192 : vector<8x128xi32>
      %jit3A_194 = arith.constant -2.000000e+00 : f32
      %broadcast_in_dim3A_195 = vector.broadcast %jit3A_194 : f32 to vector<8x128xf32>
      %select_n3A_196 = arith.select %eq3A_193, %broadcast_in_dim3A_195, %scan3A_120 : vector<8x128xi1>, vector<8x128xf32>
      %eq3A_197 = vector.broadcast %broadcast_in_dim3A_167 : vector<1x1xi32> to vector<8x128xi32>
      %eq3A_198 = arith.cmpi eq, %add3A_33, %eq3A_197 : vector<8x128xi32>
      %jit3A_199 = arith.constant -2.000000e+00 : f32
      %broadcast_in_dim3A_200 = vector.broadcast %jit3A_199 : f32 to vector<8x128xf32>
      %select_n3A_201 = arith.select %eq3A_198, %broadcast_in_dim3A_200, %scan3A_121 : vector<8x128xi1>, vector<8x128xf32>
      %eq3A_202 = vector.broadcast %broadcast_in_dim3A_167 : vector<1x1xi32> to vector<8x128xi32>
      %eq3A_203 = arith.cmpi eq, %add3A_40, %eq3A_202 : vector<8x128xi32>
      %jit3A_204 = arith.constant -2.000000e+00 : f32
      %broadcast_in_dim3A_205 = vector.broadcast %jit3A_204 : f32 to vector<8x128xf32>
      %select_n3A_206 = arith.select %eq3A_203, %broadcast_in_dim3A_205, %scan3A_122 : vector<8x128xi1>, vector<8x128xf32>
      %eq3A_207 = vector.broadcast %broadcast_in_dim3A_167 : vector<1x1xi32> to vector<8x128xi32>
      %eq3A_208 = arith.cmpi eq, %add3A_47, %eq3A_207 : vector<8x128xi32>
      %jit3A_209 = arith.constant -2.000000e+00 : f32
      %broadcast_in_dim3A_210 = vector.broadcast %jit3A_209 : f32 to vector<8x128xf32>
      %select_n3A_211 = arith.select %eq3A_208, %broadcast_in_dim3A_210, %scan3A_123 : vector<8x128xi1>, vector<8x128xf32>
      %eq3A_212 = vector.broadcast %broadcast_in_dim3A_167 : vector<1x1xi32> to vector<8x128xi32>
      %eq3A_213 = arith.cmpi eq, %add3A_54, %eq3A_212 : vector<8x128xi32>
      %jit3A_214 = arith.constant -2.000000e+00 : f32
      %broadcast_in_dim3A_215 = vector.broadcast %jit3A_214 : f32 to vector<8x128xf32>
      %select_n3A_216 = arith.select %eq3A_213, %broadcast_in_dim3A_215, %scan3A_124 : vector<8x128xi1>, vector<8x128xf32>
      %eq3A_217 = vector.broadcast %broadcast_in_dim3A_167 : vector<1x1xi32> to vector<8x128xi32>
      %eq3A_218 = arith.cmpi eq, %add3A_61, %eq3A_217 : vector<8x128xi32>
      %jit3A_219 = arith.constant -2.000000e+00 : f32
      %broadcast_in_dim3A_220 = vector.broadcast %jit3A_219 : f32 to vector<8x128xf32>
      %select_n3A_221 = arith.select %eq3A_218, %broadcast_in_dim3A_220, %scan3A_125 : vector<8x128xi1>, vector<8x128xf32>
      %eq3A_222 = vector.broadcast %broadcast_in_dim3A_167 : vector<1x1xi32> to vector<8x128xi32>
      %eq3A_223 = arith.cmpi eq, %add3A_68, %eq3A_222 : vector<8x128xi32>
      %jit3A_224 = arith.constant -2.000000e+00 : f32
      %broadcast_in_dim3A_225 = vector.broadcast %jit3A_224 : f32 to vector<8x128xf32>
      %select_n3A_226 = arith.select %eq3A_223, %broadcast_in_dim3A_225, %scan3A_126 : vector<8x128xi1>, vector<8x128xf32>
      scf.yield %select_n3A_181, %select_n3A_186, %select_n3A_191, %select_n3A_196, %select_n3A_201, %select_n3A_206, %select_n3A_211, %select_n3A_216, %select_n3A_221, %select_n3A_226, %select_n3A_171, %select_n3A_177 : vector<8x128xf32>, vector<8x128xf32>, vector<8x128xf32>, vector<8x128xf32>, vector<8x128xf32>, vector<8x128xf32>, vector<8x128xf32>, vector<8x128xf32>, vector<8x128xf32>, vector<8x128xf32>, vector<1x256xf32>, vector<1x256xi32>
    }
    %swap3A = arith.constant 0 : index
    %swap3A_111 = arith.constant 0 : index
    %swap3A_112 = vector.load %arg1[%swap3A, %swap3A_111] : memref<1x256xf32, #tpu.memory_space<vmem>>, vector<1x256xf32>
    tpu.vector_store %arg1[%swap3A, %swap3A_111], %scan3A_110#10 {strides = array<i32>} : memref<1x256xf32, #tpu.memory_space<vmem>>, vector<1x256xf32>,
    %swap3A_113 = arith.constant 0 : index
    %swap3A_114 = arith.constant 0 : index
    %swap3A_115 = vector.load %arg2[%swap3A_113, %swap3A_114] : memref<1x256xi32, #tpu.memory_space<vmem>>, vector<1x256xi32>
    tpu.vector_store %arg2[%swap3A_113, %swap3A_114], %scan3A_110#11 {strides = array<i32>} : memref<1x256xi32, #tpu.memory_space<vmem>>, vector<1x256xi32>,
    return
  }
}

module attributes {stable_mosaic.version = 14 : i64} {
  func.func @_scale_mm_body(%arg0: i32, %arg1: memref<128x256xf32, #tpu.memory_space<vmem>>, %arg2: memref<256x256xf32, #tpu.memory_space<vmem>>, %arg3: memref<256x1xf32, #tpu.memory_space<vmem>>, %arg4: memref<768x256xf32, #tpu.memory_space<vmem>>, %arg5: memref<768x256xf32, #tpu.memory_space<vmem>>, %arg6: memref<1x768xf32, #tpu.memory_space<vmem>>, %arg7: memref<1x768xf32, #tpu.memory_space<vmem>>, %arg8: memref<256x256xf32, #tpu.memory_space<vmem>>, %arg9: memref<128x2xf32, #tpu.memory_space<vmem>>, %arg10: memref<2x128x128xf32, #tpu.memory_space<vmem>>, %arg11: memref<128x256xf32, #tpu.memory_space<vmem>>, %arg12: memref<256x256xf32, #tpu.memory_space<vmem>>) attributes {dimension_semantics = [#tpu.dimension_semantics<arbitrary>], iteration_bounds = array<i64: 79>, scalar_prefetch = 0 : i64, scratch_operands = 1 : i64, tpu.core_type = #tpu.core_type<tc>, window_params = [{transform_indices = @transform_0, window_bounds = array<i64: 128, 256>}, {pipeline_mode = #tpu.pipeline_mode<synchronous>, transform_indices = @transform_1, window_bounds = array<i64: 256, 256>}, {pipeline_mode = #tpu.pipeline_mode<synchronous>, transform_indices = @transform_2, window_bounds = array<i64: 256, 1>}, {pipeline_mode = #tpu.pipeline_mode<synchronous>, transform_indices = @transform_3, window_bounds = array<i64: 768, 256>}, {pipeline_mode = #tpu.pipeline_mode<synchronous>, transform_indices = @transform_4, window_bounds = array<i64: 768, 256>}, {pipeline_mode = #tpu.pipeline_mode<synchronous>, transform_indices = @transform_5, window_bounds = array<i64: 1, 768>}, {pipeline_mode = #tpu.pipeline_mode<synchronous>, transform_indices = @transform_6, window_bounds = array<i64: 1, 768>}, {pipeline_mode = #tpu.pipeline_mode<synchronous>, transform_indices = @transform_7, window_bounds = array<i64: 256, 256>}, {transform_indices = @transform_8, window_bounds = array<i64: 128, 2>}, {transform_indices = @transform_9, window_bounds = array<i64: 2, 128, 128>}, {transform_indices = @transform_10, window_bounds = array<i64: 128, 256>}]} {
    %eq3A = arith.constant 0 : i32
    %eq3A_0 = arith.cmpi eq, %arg0, %eq3A : i32
    %convert_element_type3A = arith.extui %eq3A_0 : i1 to i32
    %cond3A = arith.constant 0 : i32
    %cond3A_1 = arith.cmpi ne, %convert_element_type3A, %cond3A : i32
    scf.if %cond3A_1 {
      %get3A_35 = arith.constant 0 : index
      %get3A_36 = arith.constant 0 : index
      %get3A_37 = vector.load %arg2[%get3A_35, %get3A_36] : memref<256x256xf32, #tpu.memory_space<vmem>>, vector<256x256xf32>
      %get3A_38 = arith.constant 0 : index
      %get3A_39 = arith.constant 0 : index
      %get3A_40 = vector.load %arg3[%get3A_38, %get3A_39] : memref<256x1xf32, #tpu.memory_space<vmem>>, vector<256x1xf32>
      %mul3A_41 = vector.broadcast %get3A_40 : vector<256x1xf32> to vector<256x256xf32>
      %mul3A_42 = arith.mulf %get3A_37, %mul3A_41 : vector<256x256xf32>
      %get3A_43 = arith.constant 0 : index
      %get3A_44 = arith.constant 0 : index
      %get3A_45 = vector.load %arg4[%get3A_43, %get3A_44] : memref<768x256xf32, #tpu.memory_space<vmem>>, vector<768x256xf32>
      %dot_general3A_46 = arith.constant dense<0.000000e+00> : vector<256x768xf32>
      %dot_general3A_47 = tpu.matmul %mul3A_42, %get3A_45, %dot_general3A_46 {dimension_numbers = #tpu.dot_dimension_numbers<[1], [1], [0], [0], [0, 0, 1, 0], [], []>, transpose_lhs_hint = false} : vector<256x256xf32>, vector<768x256xf32>, vector<256x768xf32> -> vector<256x768xf32>
      %get3A_48 = arith.constant 0 : index
      %get3A_49 = arith.constant 0 : index
      %get3A_50 = vector.load %arg6[%get3A_48, %get3A_49] : memref<1x768xf32, #tpu.memory_space<vmem>>, vector<1x768xf32>
      %add3A_51 = vector.broadcast %get3A_50 : vector<1x768xf32> to vector<256x768xf32>
      %add3A_52 = arith.addf %dot_general3A_47, %add3A_51 : vector<256x768xf32>
      %get3A_53 = arith.constant 0 : index
      %get3A_54 = arith.constant 0 : index
      %get3A_55 = vector.load %arg8[%get3A_53, %get3A_54] : memref<256x256xf32, #tpu.memory_space<vmem>>, vector<256x256xf32>
      %get3A_56 = arith.constant 0 : index
      %get3A_57 = arith.constant 0 : index
      %get3A_58 = vector.load %arg5[%get3A_56, %get3A_57] : memref<768x256xf32, #tpu.memory_space<vmem>>, vector<768x256xf32>
      %dot_general3A_59 = arith.constant dense<0.000000e+00> : vector<256x768xf32>
      %dot_general3A_60 = tpu.matmul %get3A_55, %get3A_58, %dot_general3A_59 {dimension_numbers = #tpu.dot_dimension_numbers<[1], [1], [0], [0], [0, 0, 1, 0], [], []>, transpose_lhs_hint = false} : vector<256x256xf32>, vector<768x256xf32>, vector<256x768xf32> -> vector<256x768xf32>
      %get3A_61 = arith.constant 0 : index
      %get3A_62 = arith.constant 0 : index
      %get3A_63 = vector.load %arg7[%get3A_61, %get3A_62] : memref<1x768xf32, #tpu.memory_space<vmem>>, vector<1x768xf32>
      %add3A_64 = vector.broadcast %get3A_63 : vector<1x768xf32> to vector<256x768xf32>
      %add3A_65 = arith.addf %dot_general3A_60, %add3A_64 : vector<256x768xf32>
      %slice3A_66 = vector.extract_strided_slice %add3A_52 {offsets = [0, 0], sizes = [256, 256], strides = [1, 1]} : vector<256x768xf32> to vector<256x256xf32>
      %slice3A_67 = vector.extract_strided_slice %add3A_65 {offsets = [0, 0], sizes = [256, 256], strides = [1, 1]} : vector<256x768xf32> to vector<256x256xf32>
      %add3A_68 = arith.addf %slice3A_66, %slice3A_67 : vector<256x256xf32>
      %neg3A = arith.constant 0.000000e+00 : f32
      %neg3A_69 = vector.broadcast %neg3A : f32 to vector<256x256xf32>
      %neg3A_70 = arith.subf %neg3A_69, %add3A_68 : vector<256x256xf32>
      %exp3A = math.exp %neg3A_70 : vector<256x256xf32>
      %add3A_71 = arith.constant 1.000000e+00 : f32
      %add3A_72 = vector.broadcast %add3A_71 : f32 to vector<256x256xf32>
      %add3A_73 = arith.addf %add3A_72, %exp3A : vector<256x256xf32>
      %div3A = arith.constant 1.000000e+00 : f32
      %div3A_74 = vector.broadcast %div3A : f32 to vector<256x256xf32>
      %div3A_75 = arith.divf %div3A_74, %add3A_73 : vector<256x256xf32>
      %slice3A_76 = vector.extract_strided_slice %add3A_52 {offsets = [0, 256], sizes = [256, 256], strides = [1, 1]} : vector<256x768xf32> to vector<256x256xf32>
      %slice3A_77 = vector.extract_strided_slice %add3A_65 {offsets = [0, 256], sizes = [256, 256], strides = [1, 1]} : vector<256x768xf32> to vector<256x256xf32>
      %add3A_78 = arith.addf %slice3A_76, %slice3A_77 : vector<256x256xf32>
      %neg3A_79 = arith.constant 0.000000e+00 : f32
      %neg3A_80 = vector.broadcast %neg3A_79 : f32 to vector<256x256xf32>
      %neg3A_81 = arith.subf %neg3A_80, %add3A_78 : vector<256x256xf32>
      %exp3A_82 = math.exp %neg3A_81 : vector<256x256xf32>
      %add3A_83 = arith.constant 1.000000e+00 : f32
      %add3A_84 = vector.broadcast %add3A_83 : f32 to vector<256x256xf32>
      %add3A_85 = arith.addf %add3A_84, %exp3A_82 : vector<256x256xf32>
      %div3A_86 = arith.constant 1.000000e+00 : f32
      %div3A_87 = vector.broadcast %div3A_86 : f32 to vector<256x256xf32>
      %div3A_88 = arith.divf %div3A_87, %add3A_85 : vector<256x256xf32>
      %slice3A_89 = vector.extract_strided_slice %add3A_52 {offsets = [0, 512], sizes = [256, 256], strides = [1, 1]} : vector<256x768xf32> to vector<256x256xf32>
      %slice3A_90 = vector.extract_strided_slice %add3A_65 {offsets = [0, 512], sizes = [256, 256], strides = [1, 1]} : vector<256x768xf32> to vector<256x256xf32>
      %mul3A_91 = arith.mulf %div3A_75, %slice3A_90 : vector<256x256xf32>
      %add3A_92 = arith.addf %slice3A_89, %mul3A_91 : vector<256x256xf32>
      %tanh3A = math.tanh %add3A_92 : vector<256x256xf32>
      %sub3A = arith.constant 1.000000e+00 : f32
      %sub3A_93 = vector.broadcast %sub3A : f32 to vector<256x256xf32>
      %sub3A_94 = arith.subf %sub3A_93, %div3A_88 : vector<256x256xf32>
      %mul3A_95 = arith.mulf %sub3A_94, %tanh3A : vector<256x256xf32>
      %get3A_96 = arith.constant 0 : index
      %get3A_97 = arith.constant 0 : index
      %get3A_98 = vector.load %arg8[%get3A_96, %get3A_97] : memref<256x256xf32, #tpu.memory_space<vmem>>, vector<256x256xf32>
      %mul3A_99 = arith.mulf %div3A_88, %get3A_98 : vector<256x256xf32>
      %add3A_100 = arith.addf %mul3A_95, %mul3A_99 : vector<256x256xf32>
      %swap3A_101 = arith.constant 0 : index
      %swap3A_102 = arith.constant 0 : index
      %swap3A_103 = vector.load %arg12[%swap3A_101, %swap3A_102] : memref<256x256xf32, #tpu.memory_space<vmem>>, vector<256x256xf32>
      tpu.vector_store %arg12[%swap3A_101, %swap3A_102], %add3A_100 {strides = array<i32>} : memref<256x256xf32, #tpu.memory_space<vmem>>, vector<256x256xf32>,
    } else {
    }
    %get3A = arith.constant 0 : index
    %get3A_2 = arith.constant 0 : index
    %get3A_3 = vector.load %arg9[%get3A, %get3A_2] : memref<128x2xf32, #tpu.memory_space<vmem>>, vector<128x1xf32>
    %get3A_4 = arith.constant 0 : index
    %get3A_5 = arith.constant 1 : index
    %get3A_6 = vector.load %arg9[%get3A_4, %get3A_5] : memref<128x2xf32, #tpu.memory_space<vmem>>, vector<128x1xf32>
    %add3A = arith.addf %get3A_3, %get3A_6 : vector<128x1xf32>
    %add3A_7 = arith.constant 1.000000e+00 : f32
    %add3A_8 = vector.broadcast %add3A_7 : f32 to vector<128x1xf32>
    %add3A_9 = arith.addf %add3A, %add3A_8 : vector<128x1xf32>
    %rsqrt3A = math.rsqrt %add3A_9 : vector<128x1xf32>
    %get3A_10 = arith.constant 0 : index
    %get3A_11 = arith.constant 0 : index
    %get3A_12 = vector.load %arg1[%get3A_10, %get3A_11] : memref<128x256xf32, #tpu.memory_space<vmem>>, vector<128x256xf32>
    %mul3A = vector.broadcast %rsqrt3A : vector<128x1xf32> to vector<128x256xf32>
    %mul3A_13 = arith.mulf %get3A_12, %mul3A : vector<128x256xf32>
    %get3A_14 = arith.constant 0 : index
    %get3A_15 = arith.constant 0 : index
    %get3A_16 = vector.load %arg12[%get3A_14, %get3A_15] : memref<256x256xf32, #tpu.memory_space<vmem>>, vector<256x256xf32>
    %dot_general3A = arith.constant dense<0.000000e+00> : vector<128x256xf32>
    %dot_general3A_17 = tpu.matmul %mul3A_13, %get3A_16, %dot_general3A {dimension_numbers = #tpu.dot_dimension_numbers<[1], [0], [0], [1], [0, 0, 1, 1], [], []>, transpose_lhs_hint = false} : vector<128x256xf32>, vector<256x256xf32>, vector<128x256xf32> -> vector<128x256xf32>
    %slice3A = vector.extract_strided_slice %dot_general3A_17 {offsets = [0, 0], sizes = [128, 128], strides = [1, 1]} : vector<128x256xf32> to vector<128x128xf32>
    %swap3A = arith.constant 0 : index
    %swap3A_18 = arith.constant 0 : index
    %swap3A_19 = arith.constant 0 : index
    %swap3A_20 = vector.load %arg10[%swap3A, %swap3A_18, %swap3A_19] : memref<2x128x128xf32, #tpu.memory_space<vmem>>, vector<1x128x128xf32>
    %swap3A_21 = vector.shape_cast %swap3A_20 : vector<1x128x128xf32> to vector<128x128xf32>
    %swap3A_22 = vector.shape_cast %slice3A : vector<128x128xf32> to vector<1x128x128xf32>
    tpu.vector_store %arg10[%swap3A, %swap3A_18, %swap3A_19], %swap3A_22 {strides = array<i32>} : memref<2x128x128xf32, #tpu.memory_space<vmem>>, vector<1x128x128xf32>,
    %slice3A_23 = vector.extract_strided_slice %dot_general3A_17 {offsets = [0, 128], sizes = [128, 128], strides = [1, 1]} : vector<128x256xf32> to vector<128x128xf32>
    %swap3A_24 = arith.constant 1 : index
    %swap3A_25 = arith.constant 0 : index
    %swap3A_26 = arith.constant 0 : index
    %swap3A_27 = vector.load %arg10[%swap3A_24, %swap3A_25, %swap3A_26] : memref<2x128x128xf32, #tpu.memory_space<vmem>>, vector<1x128x128xf32>
    %swap3A_28 = vector.shape_cast %swap3A_27 : vector<1x128x128xf32> to vector<128x128xf32>
    %swap3A_29 = vector.shape_cast %slice3A_23 : vector<128x128xf32> to vector<1x128x128xf32>
    tpu.vector_store %arg10[%swap3A_24, %swap3A_25, %swap3A_26], %swap3A_29 {strides = array<i32>} : memref<2x128x128xf32, #tpu.memory_space<vmem>>, vector<1x128x128xf32>,
    %mul3A_30 = vector.broadcast %rsqrt3A : vector<128x1xf32> to vector<128x256xf32>
    %mul3A_31 = arith.mulf %dot_general3A_17, %mul3A_30 : vector<128x256xf32>
    %swap3A_32 = arith.constant 0 : index
    %swap3A_33 = arith.constant 0 : index
    %swap3A_34 = vector.load %arg11[%swap3A_32, %swap3A_33] : memref<128x256xf32, #tpu.memory_space<vmem>>, vector<128x256xf32>
    tpu.vector_store %arg11[%swap3A_32, %swap3A_33], %mul3A_31 {strides = array<i32>} : memref<128x256xf32, #tpu.memory_space<vmem>>, vector<128x256xf32>,
    return
  }
  func.func @transform_0(%arg0: i32) -> (i32, i32) {
    %c0_i32 = arith.constant 0 : i32
    %c0_i32_0 = arith.constant 0 : i32
    return %arg0, %c0_i32 : i32, i32
  }
  func.func @transform_1(%arg0: i32) -> (i32, i32) {
    %c0_i32 = arith.constant 0 : i32
    %c0_i32_0 = arith.constant 0 : i32
    %c0_i32_1 = arith.constant 0 : i32
    return %c0_i32, %c0_i32_0 : i32, i32
  }
  func.func @transform_2(%arg0: i32) -> (i32, i32) {
    %c0_i32 = arith.constant 0 : i32
    %c0_i32_0 = arith.constant 0 : i32
    %c0_i32_1 = arith.constant 0 : i32
    return %c0_i32, %c0_i32_0 : i32, i32
  }
  func.func @transform_3(%arg0: i32) -> (i32, i32) {
    %c0_i32 = arith.constant 0 : i32
    %c0_i32_0 = arith.constant 0 : i32
    %c0_i32_1 = arith.constant 0 : i32
    return %c0_i32, %c0_i32_0 : i32, i32
  }
  func.func @transform_4(%arg0: i32) -> (i32, i32) {
    %c0_i32 = arith.constant 0 : i32
    %c0_i32_0 = arith.constant 0 : i32
    %c0_i32_1 = arith.constant 0 : i32
    return %c0_i32, %c0_i32_0 : i32, i32
  }
  func.func @transform_5(%arg0: i32) -> (i32, i32) {
    %c0_i32 = arith.constant 0 : i32
    %c0_i32_0 = arith.constant 0 : i32
    %c0_i32_1 = arith.constant 0 : i32
    return %c0_i32, %c0_i32_0 : i32, i32
  }
  func.func @transform_6(%arg0: i32) -> (i32, i32) {
    %c0_i32 = arith.constant 0 : i32
    %c0_i32_0 = arith.constant 0 : i32
    %c0_i32_1 = arith.constant 0 : i32
    return %c0_i32, %c0_i32_0 : i32, i32
  }
  func.func @transform_7(%arg0: i32) -> (i32, i32) {
    %c0_i32 = arith.constant 0 : i32
    %c0_i32_0 = arith.constant 0 : i32
    %c0_i32_1 = arith.constant 0 : i32
    return %c0_i32, %c0_i32_0 : i32, i32
  }
  func.func @transform_8(%arg0: i32) -> (i32, i32) {
    %c0_i32 = arith.constant 0 : i32
    %c0_i32_0 = arith.constant 0 : i32
    return %arg0, %c0_i32 : i32, i32
  }
  func.func @transform_9(%arg0: i32) -> (i32, i32, i32) {
    %c0_i32 = arith.constant 0 : i32
    %c0_i32_0 = arith.constant 0 : i32
    %c0_i32_1 = arith.constant 0 : i32
    return %c0_i32, %arg0, %c0_i32_0 : i32, i32, i32
  }
  func.func @transform_10(%arg0: i32) -> (i32, i32) {
    %c0_i32 = arith.constant 0 : i32
    %c0_i32_0 = arith.constant 0 : i32
    return %arg0, %c0_i32 : i32, i32
  }
}

module attributes {stable_mosaic.version = 14 : i64} {
  func.func @_combine_body(%arg0: i32, %arg1: memref<2x128x128xf32, #tpu.memory_space<vmem>>, %arg2: memref<128x2xf32, #tpu.memory_space<vmem>>, %arg3: memref<128x256xf32, #tpu.memory_space<vmem>>, %arg4: memref<128x256xf32, #tpu.memory_space<vmem>>) attributes {dimension_semantics = [#tpu.dimension_semantics<arbitrary>], iteration_bounds = array<i64: 79>, scalar_prefetch = 0 : i64, scratch_operands = 0 : i64, tpu.core_type = #tpu.core_type<tc>, window_params = [{transform_indices = @transform_0, window_bounds = array<i64: 2, 128, 128>}, {transform_indices = @transform_1, window_bounds = array<i64: 128, 2>}, {transform_indices = @transform_2, window_bounds = array<i64: 128, 256>}, {transform_indices = @transform_3, window_bounds = array<i64: 128, 256>}]} {
    %get3A = arith.constant 0 : index
    %get3A_0 = arith.constant 0 : index
    %get3A_1 = vector.load %arg2[%get3A, %get3A_0] : memref<128x2xf32, #tpu.memory_space<vmem>>, vector<128x1xf32>
    %get3A_2 = arith.constant 0 : index
    %get3A_3 = arith.constant 1 : index
    %get3A_4 = vector.load %arg2[%get3A_2, %get3A_3] : memref<128x2xf32, #tpu.memory_space<vmem>>, vector<128x1xf32>
    %add3A = arith.addf %get3A_1, %get3A_4 : vector<128x1xf32>
    %add3A_5 = arith.constant 1.000000e+00 : f32
    %add3A_6 = vector.broadcast %add3A_5 : f32 to vector<128x1xf32>
    %add3A_7 = arith.addf %add3A, %add3A_6 : vector<128x1xf32>
    %rsqrt3A = math.rsqrt %add3A_7 : vector<128x1xf32>
    %get3A_8 = arith.constant 0 : index
    %get3A_9 = arith.constant 0 : index
    %get3A_10 = arith.constant 0 : index
    %get3A_11 = vector.load %arg1[%get3A_8, %get3A_9, %get3A_10] : memref<2x128x128xf32, #tpu.memory_space<vmem>>, vector<1x128x128xf32>
    %get3A_12 = vector.shape_cast %get3A_11 : vector<1x128x128xf32> to vector<128x128xf32>
    %get3A_13 = arith.constant 1 : index
    %get3A_14 = arith.constant 0 : index
    %get3A_15 = arith.constant 0 : index
    %get3A_16 = vector.load %arg1[%get3A_13, %get3A_14, %get3A_15] : memref<2x128x128xf32, #tpu.memory_space<vmem>>, vector<1x128x128xf32>
    %get3A_17 = vector.shape_cast %get3A_16 : vector<1x128x128xf32> to vector<128x128xf32>
    %concatenate3A = tpu.concatenate %get3A_12, %get3A_17 in 1 : vector<128x128xf32>, vector<128x128xf32> -> vector<128x256xf32>
    %mul3A = vector.broadcast %rsqrt3A : vector<128x1xf32> to vector<128x256xf32>
    %mul3A_18 = arith.mulf %concatenate3A, %mul3A : vector<128x256xf32>
    %get3A_19 = arith.constant 0 : index
    %get3A_20 = arith.constant 0 : index
    %get3A_21 = vector.load %arg3[%get3A_19, %get3A_20] : memref<128x256xf32, #tpu.memory_space<vmem>>, vector<128x256xf32>
    %add3A_22 = arith.addf %mul3A_18, %get3A_21 : vector<128x256xf32>
    %swap3A = arith.constant 0 : index
    %swap3A_23 = arith.constant 0 : index
    %swap3A_24 = vector.load %arg4[%swap3A, %swap3A_23] : memref<128x256xf32, #tpu.memory_space<vmem>>, vector<128x256xf32>
    tpu.vector_store %arg4[%swap3A, %swap3A_23], %add3A_22 {strides = array<i32>} : memref<128x256xf32, #tpu.memory_space<vmem>>, vector<128x256xf32>,
    return
  }
  func.func @transform_0(%arg0: i32) -> (i32, i32, i32) {
    %c0_i32 = arith.constant 0 : i32
    %c0_i32_0 = arith.constant 0 : i32
    %c0_i32_1 = arith.constant 0 : i32
    return %c0_i32, %arg0, %c0_i32_0 : i32, i32, i32
  }
  func.func @transform_1(%arg0: i32) -> (i32, i32) {
    %c0_i32 = arith.constant 0 : i32
    %c0_i32_0 = arith.constant 0 : i32
    return %arg0, %c0_i32 : i32, i32
  }
  func.func @transform_2(%arg0: i32) -> (i32, i32) {
    %c0_i32 = arith.constant 0 : i32
    %c0_i32_0 = arith.constant 0 : i32
    return %arg0, %c0_i32 : i32, i32
  }
  func.func @transform_3(%arg0: i32) -> (i32, i32) {
    %c0_i32 = arith.constant 0 : i32
    %c0_i32_0 = arith.constant 0 : i32
    return %arg0, %c0_i32 : i32, i32
  }
}

</mosaic_0001>

<sc_bundles>
// kernel: kernel.11.cloned.1.call-start
scs
__scs_entry_jumppad:
0x0: {  	(pc) =	sbr.rel $0x88, $3  }
0x1: {  	(tag) =	ssettag $0x0;
	lr =	simm.s32 $0x1  }
0x2: {  	[smem:$0x3F99] =	sst lr;
	_ =	strace $0xD0000000  }
0x3: {  	_ = 	snop  }
0x4: {  	_ = 	snop  }
0x5: {  	_ = 	snop  }
0x6: {  	_ = 	snop  }
0x7: {  	_ = 	snop  }
__scs_overlays_trampoline_lowered:
0x8: {  	[smem:$0x3FA8] =	sst s0  }
0x9: {  	[smem:$0x3FA9] =	sst s1  }
0xa: {  	[smem:$0x3FAA] =	sst s2  }
0xb: {  	[smem:$0x3FAB] =	sst s3  }
0xc: {  	[smem:$0x3FAC] =	sst s4  }
0xd: {  	[smem:$0x3FAD] =	sst s5  }
0xe: {  	[smem:$0x3FAE] =	sst s6  }
0xf: {  	[smem:$0x3FAF] =	sst s7  }
0x10: {  	[smem:$0x3FB0] =	sst s8  }
0x11: {  	[smem:$0x3FB1] =	sst s9;
	s0 =	simm.s32 @!p0 $0x0  }
0x12: {  	s1 =	sld [smem:$0x3F97];
	s0 =	simm.s32 @p0 $0x1  }
0x13: {  	[smem:$0x3FB2] =	sst s0;
	s0 =	simm.s32 @!p1 $0x0  }
0x14: {  	s2 =	sld [smem:$0x3F96];
	s0 =	simm.s32 @p1 $0x1  }
0x15: {  	[smem:$0x3FB3] =	sst s0;
	s0 =	simm.s32 @!p2 $0x0  }
0x16: {  	s3 =	sld [smem:$0x3FDB];
	s0 =	simm.s32 @p2 $0x1  }
0x17: {  	s4 =	simm.s32 $0x1BF5;
	[smem:$0x3FB5] =	sst s0  }
0x18: {  	s0 =	sld [smem:$0x3F98];
	_ =	swait.ge [sflag:s4], $0x0  }
0x19: {  	s7 =	sld [smem:$0x3F99]  }
0x1a: {  	s8 =	sadd.s32 $0xFFFFE003, lr  }
0x1b: {  	s9 =	sadd.s32 $0xFFFFFEF7, lr;
	s5 =	simm.s32 $0xFFFFFFFF;
	p2 =	slt.u32 s8, $0xFFFFF086  }
0x1c: {  	p1 =	slt.u32 s9, $0xF7A;
	s5 =	simm.s32 @!p2 $0x0  }
0x1d: {  	s5 =	simm.s32 @p1 $0x1;
	p0 =	seq.s32 s7, s2  }
0x1e: {  	s7 =	smul.u32 @!p0 $0xF7A, s2;
	p2 =	seq.s32 @!p0 s5, $0x0  }
0x1f: {  	s9 =	smul.u32 $0xF7A, s1;
	s8 =	simm.s32 @!p0 $0x1BF5;
	p2 =	por !p2, p0  }
0x20: {  	[sflag:s8] =	ssyncset.s32 @!p0 $0xFFFFF086;
	s6 =	sadd.s32 @!p0 s3, s7;
	s7 =	simm.s32 @!p0 $0x108  }
0x21: {  	s3 =	sadd.s32 s3, s9;
	s6 =	sadd.s32 @!p0 $0x88, s6;
	s7 =	simm.s32 @p2 $0x1082  }
0x22: {  	[simem:s7], [sflag:s8] =	dma.local @!p0 [hbm:s6], $0xF7A  }
0x23: {  	s9 =	sor.u32 $0xD0000000, s2;
	s6 =	simm.s32 $0x108;
	_ =	swait.ge @!p0 [sflag:s8], $0x0  }
0x24: {  	s3 =	sadd.s32 $0x88, s3;
	s6 =	simm.s32 @!p1 $0x1082;
	[sflag:s4] =	ssyncset.s32 $0xFFFFF086  }
0x25: {  	[simem:s6], [sflag:s4] =	dma.local [hbm:s3], $0xF7A  }
0x26: {  	[smem:$0x3F99] =	sst s1;
	(tag) =	ssettag s2;
	_ =	strace s9  }
0x27: {  	s1 =	sld [smem:$0x3FA9]  }
0x28: {  	s2 =	sld [smem:$0x3FAA]  }
0x29: {  	s4 =	sld [smem:$0x3FAC]  }
0x2a: {  	p0 =	seq.s32 s5, $0x0;
	s5 =	sld [smem:$0x3FAD]  }
0x2b: {  	s6 =	sld [smem:$0x3FAE]  }
0x2c: {  	s7 =	sld [smem:$0x3FAF]  }
0x2d: {  	s3 =	simm.s32 $0x108;
	s8 =	sld [smem:$0x3FB0]  }
0x2e: {  	s3 =	simm.s32 @!p0 $0x1082;
	s9 =	sld [smem:$0x3FB1]  }
0x2f: {  	lr =	sadd.s32 s0, s3;
	s0 =	sld [smem:$0x3FA8]  }
0x30: {  	s3 =	sld [smem:$0x3FAB]  }
0x31: {  	[smem:$0x3FB4] =	sst s10  }
0x32: {  	s10 =	sld [smem:$0x3FB2];
	_ =	sdelay $0x3  }
0x33: {  	p0 =	seq.s32 s10, $0x1;
	s10 =	sld [smem:$0x3FB4];
	_ =	sdelay $0x3  }
0x34: {  	[smem:$0x3FB4] =	sst s10  }
0x35: {  	s10 =	sld [smem:$0x3FB3];
	_ =	sdelay $0x3  }
0x36: {  	p1 =	seq.s32 s10, $0x1;
	s10 =	sld [smem:$0x3FB4];
	_ =	sdelay $0x3  }
0x37: {  	[smem:$0x3FB4] =	sst s10  }
0x38: {  	s10 =	sld [smem:$0x3FB5]  }
0x39: {  	_ = 	snop;
	(pc) =	sbr.ind lr, $3  }
0x3a: {  	_ = 	snop  }
0x3b: {  	_ = 	snop  }
0x3c: {  	p2 =	seq.s32 s10, $0x1;
	s10 =	sld [smem:$0x3FB4]  }
0x3d: {  	_ =	shalt  }
0x3e: {  	_ =	shalt  }
0x3f: {  	_ =	shalt  }
0x40: {  	_ =	shalt  }
0x41: {  	_ =	shalt  }
0x42: {  	_ =	shalt  }
0x43: {  	_ =	shalt  }
0x44: {  	_ =	shalt  }
0x45: {  	_ =	shalt  }
0x46: {  	_ =	shalt  }
0x47: {  	_ =	shalt  }
0x48: {  	_ =	shalt  }
0x49: {  	_ =	shalt  }
0x4a: {  	_ =	shalt  }
0x4b: {  	_ =	shalt  }
0x4c: {  	_ =	shalt  }
0x4d: {  	_ =	shalt  }
0x4e: {  	_ =	shalt  }
0x4f: {  	_ =	shalt  }
0x50: {  	_ =	shalt  }
0x51: {  	_ =	shalt  }
0x52: {  	_ =	shalt  }
0x53: {  	_ =	shalt  }
0x54: {  	_ =	shalt  }
0x55: {  	_ =	shalt  }
0x56: {  	_ =	shalt  }
0x57: {  	_ =	shalt  }
0x58: {  	_ =	shalt  }
0x59: {  	_ =	shalt  }
0x5a: {  	_ =	shalt  }
0x5b: {  	_ =	shalt  }
0x5c: {  	_ =	shalt  }
0x5d: {  	_ =	shalt  }
0x5e: {  	_ =	shalt  }
0x5f: {  	_ =	shalt  }
0x60: {  	_ =	shalt  }
0x61: {  	_ =	shalt  }
0x62: {  	_ =	shalt  }
0x63: {  	_ =	shalt  }
0x64: {  	_ =	shalt  }
0x65: {  	_ =	shalt  }
0x66: {  	_ =	shalt  }
0x67: {  	_ =	shalt  }
0x68: {  	_ =	shalt  }
0x69: {  	_ =	shalt  }
0x6a: {  	_ =	shalt  }
0x6b: {  	_ =	shalt  }
0x6c: {  	_ =	shalt  }
0x6d: {  	_ =	shalt  }
0x6e: {  	_ =	shalt  }
0x6f: {  	_ =	shalt  }
0x70: {  	_ =	shalt  }
0x71: {  	_ =	shalt  }
0x72: {  	_ =	shalt  }
0x73: {  	_ =	shalt  }
0x74: {  	_ =	shalt  }
0x75: {  	_ =	shalt  }
0x76: {  	_ =	shalt  }
0x77: {  	_ =	shalt  }
0x78: {  	_ =	shalt  }
0x79: {  	_ =	shalt  }
0x7a: {  	_ =	shalt  }
0x7b: {  	_ =	shalt  }
0x7c: {  	_ =	shalt  }
0x7d: {  	_ =	shalt  }
0x7e: {  	_ =	shalt  }
0x7f: {  	_ =	shalt  }
0x80: {  	_ =	shalt  }
0x81: {  	_ =	shalt  }
0x82: {  	_ =	shalt  }
0x83: {  	_ =	shalt  }
0x84: {  	_ =	shalt  }
0x85: {  	_ =	shalt  }
0x86: {  	_ =	shalt  }
0x87: {  	_ =	shalt  }
.Lfunc_end0:
.L_simem_size_0:
called_computation.1_lowered:
.L_overlay_start_0:
0x88: {  	s2 =	sld [smem:$0x3FD9]  }
0x89: {  	s3 =	sld [smem:$0x3FFE];
	_ =	sdelay $0x1  }
0x8a: {  	s1 =	srdreg.scid  }
0x8b: {  	s0 =	sand.u32 $0x1, s1  }
0x8c: {  	s16 =	sshll.u32 s0, $0xA;
	s2 =	sadd.s32 s3, s2  }
0x8d: {  	s2 =	sadd.s32 s2, s16  }
0x8e: {  	[smem:$0x3FC0] =	sst s2  }
0x8f: {  	_ = 	snop  }
0x90: {  	(tm) =	ssettm $0x1  }
0x91: {  	s17 =	sld [smem:$0x3FFB];
	_ =	sdelay $0x3  }
0x92: {  	_ =	strace s17  }
0x93: {  	s2 =	sld [smem:$0x3FFC];
	_ =	sdelay $0x3  }
0x94: {  	_ =	strace s2  }
0x95: {  	s2 =	sld [smem:$0x3FFD];
	_ =	sdelay $0x3  }
0x96: {  	_ =	strace s2  }
0x97: {  	_ =	strace $0x8FFFFFFF  }
0x98: {  	s18 =	sld [smem:$0x3FDB];
	_ =	sdelay $0x1  }
0x99: {  	s19 =	simm.s32 $_scs_section_size  }
0x9a: {  	s4 =	simm.s32 $_size__tile_overlayer_lowered;
	s5 =	simm.s32 $_tile_overlayer_lowered  }
0x9b: {  	s22 =	simm.s32 $0x1BFF;
	s21 =	sshll.u32 s5, $0x1;
	s2 =	sadd.s32 s19, s18  }
0x9c: {  	s6 =	simm.s32 $0x0;
	s20 =	sshll.u32 s4, $0x1;
	s4 =	sadd.s32 s21, s2  }
0x9d: {  	[timem:s6], [sflag:s22] =	dma.local [hbm:s4], s20  }
0x9e: {  	_ =	swait.ge [sflag:s22], s20  }
0x9f: {  	s3 =	ssub.s32 $0x0, s20;
	[sflag:s22] =	ssyncset.done $0x0  }
0xa0: {  	[sflag:s22] =	ssyncadd.s32 s3;
	_ =	sdelay $0x1  }
0xa1: {  	s23 =	simm.s32 $0x1B8B  }
0xa2: {  	_ =	swait.ge [sflag:s23], $0x1  }
0xa3: {  	[sflag:s23] =	ssyncset.done $0x0  }
0xa4: {  	s25 =	simm.s32 $0x1B8E;
	s24 =	sld [smem:$0x3FFE];
	[sflag:s23] =	ssyncadd.s32 $0xFFFFFFFF  }
0xa5: {  	s26 =	simm.s32 $execute0_lowered;
	[smem:$0x3FD2] =	sst s25  }
0xa6: {  	s4 =	sshll.u32 s26, $0x1;
	_ =	strace $0x80000046;
	[dreg:$0x1] =	wrdreg $0xFFFFFFFF  }
0xa7: {  	s28 =	simm.s32 $_size_execute0_lowered;
	s2 =	sadd.s32 s2, s4;
	[dreg:$0x0] =	wrdreg $0x0  }
0xa8: {  	s4 =	sshll.u32 s28, $0x1;
	[dreg:$0x2] =	wrdreg s2  }
0xa9: {  	[dreg:$0x3] =	wrdreg s4  }
0xaa: {  	[dreg:$0x4] =	wrdreg $0xC0  }
0xab: {  	_ =	task [dreg:s6], $0x5FFFF  }
0xac: {  	[dreg:$0x1] =	wrdreg $0xFFFFFFFF  }
0xad: {  	[dreg:$0x0] =	wrdreg $0x60  }
0xae: {  	[dreg:$0x2] =	wrdreg s24  }
0xaf: {  	[dreg:$0x3] =	wrdreg $0x17000  }
0xb0: {  	[dreg:$0x4] =	wrdreg $0xA  }
0xb1: {  	_ =	task.clear_ibuf [dreg:s6], $0x5FFFF;
	_ =	strace $0x90000046  }
0xb2: {  	s29 =	simm.s32 $0xA;
	_ =	strace $0x80000048  }
0xb3: {  	_ =	swait.ge [sflag:s29], $0x1  }
0xb4: {  	[sflag:s29] =	ssyncadd.s32 $0xFFFFFFFF  }
0xb5: {  	_ =	strace $0x90000048  }
0xb6: {  	_ =	sfence  }
0xb7: {  	s30 =	sld [smem:$0x0];
	_ =	sdelay $0x2  }
0xb8: {  	s31 =	sshll.u32 s1, $0xD;
	s1 =	sshrl.u32 s1, $0x2  }
0xb9: {  	s3 =	sand.u32 $0x4000, s31;
	s1 =	sadd.s32 s1, s30  }
0xba: {  	s0 =	sor.u32 s3, s0;
	s1 =	sshll.u32 s1, $0x11  }
0xbb: {  	s0 =	sor.u32 s1, s0  }
0xbc: {  	s0 =	sadd.s32 $0x8F2B, s0  }
0xbd: {  	[sflag:s0] =	ssyncadd.remote.s32 $0x1  }
0xbe: {  	_ =	sfence.sel $0xFFFF  }
0xbf: {  	[dreg:$0x0] =	wrdreg $0xFFFFFFFF;
	(pc) =	sbr.abs _section_cstart, $3  }
0xc0: {  	[dreg:$0x1] =	wrdreg $0xFFFFFFFF  }
0xc1: {  	_ =	task.clear_ibuf [dreg:s6], $0x2FFFF;
	_ =	strace $0x9FFFFFFF  }
0xc2: {  	(tm) =	ssettm $0x7FFFFFFF  }
0xc3: {  	_ =	shalt  }
tec
execute0_lowered:
.L_overlay_start_1:
0x0: {  	(tag) =	ssettag $0x1  }
0x1: {  	s5 =	rddreg [dreg:$0x0];
	s1 =	srdreg.scid  }
0x2: {  	s0 =	stileid.u32;
	s2 =	rddreg [dreg:$0x1];
	s3 =	simm.s32 $0x0  }
0x3: {  	s11 =	simm.s32 $0x1;
	s12 =	simm.s32 $0x1400;
	s13 =	simm.s32 $0x80  }
0x4: {  	s14 =	simm.s32 $0x100;
	s15 =	simm.s32 $0x0;
	s6 =	smul.u32 $0x280, s0  }
0x5: {  	s4 =	sand.u32 $0x1, s1;
	[smem:$0x7FF] =	sst s3;
	s8 =	smul.u32 $0x500, s0  }
0x6: {  	s1 =	rddreg [dreg:$0x2];
	s7 =	smul.u32 $0x2800, s4;
	_ =	strace $0x80000047  }
0x7: {  	s9 =	sshll.u32 s4, $0x7;
	s30 =	ssub.s32 $0x2, s4;
	s4 =	sadd.s32 $0x6800, s5  }
0x8: {  	s10 =	sshrl.u32 s6, $0x3;
	s8 =	sor.u32 s9, s8;
	s31 =	sshrl.u32 s30, $0x1  }
0x9: {  	s7 =	sadd.s32 s6, s7;
	s29 =	sadd.s32 s10, s5;
	s8 =	sshrl.u32 s8, $0x3  }
0xa: {  	s10 =	ssub.s32 s30, s31;
	s6 =	sadd.s32 s6, s2;
	s7 =	sadd.s32 s7, s5  }
0xb: {  	s8 =	sadd.s32 s8, s5;
	s5 =	sadd.s32 $0x6A00, s29;
	s9 =	smax.u32 s10, $0x1  }
0xc: {  	s10 =	simm.s32 $0x1480;
	s7 =	sadd.s32 $0x1800, s7;
	s8 =	sadd.s32 $0x7000, s8  }
.LBB2_1:
0xd: {  	[tilespmem:s10], [sflag:$0x1] =	stream.linear.gather [hbm4b:s5+s3], $0x280, $0x38;
	[tilespmem:$0x1980] =	vst v63  }
0xe: {  	_ =	swait.ge [sflag:s11], $0x280  }
0xf: {  	[sflag:s11] =	ssyncset.done $0x0  }
0x10: {  	[sflag:s11] =	ssyncadd.s32 $0xFFFFFD80  }
0x11: {  	[spmem:s6] =	stream.linear.scatter [tilespmem:s10], [sflag:$0x1], $0x280, $0x38;
	[tilespmem:$0x1980] =	vst v63  }
0x12: {  	_ =	swait.ge [sflag:s11], $0x280  }
0x13: {  	[sflag:s11] =	ssyncset.done $0x0  }
0x14: {  	[sflag:s11] =	ssyncadd.s32 $0xFFFFFD80  }
0x15: {  	[tilespmem:s12], [sflag:$0x1] =	stream.linear.gather [hbm4b:s4+s3], $0x80, $0x38;
	[tilespmem:$0x1980] =	vst v63  }
0x16: {  	_ =	swait.ge [sflag:s11], $0x80  }
0x17: {  	[sflag:s11] =	ssyncset.done $0x0  }
0x18: {  	[sflag:s11] =	ssyncadd.s32 $0xFFFFFF80  }
0x19: {  	[tilespmem:s3], [sflag:$0x1] =	stream.linear.gather [hbm4b:s7+s3], $0x1400, $0x38;
	[tilespmem:$0x1980] =	vst v63  }
0x1a: {  	_ =	swait.ge [sflag:s11], $0x1400  }
0x1b: {  	[sflag:s11] =	ssyncset.done $0x0  }
0x1c: {  	[sflag:s11] =	ssyncadd.s32 $0xFFFFEC00  }
0x1d: {  	s16 =	simm.s32 $0x0;
	[bflag:$0x0] =	sbarrier.arrive $0xFFFF  }
0x1e: {  	[spmem:s2] =	stream.indirect.scatter.add.f32 [tilespmem:s12], [sflag:$0x1], $0x1, s16, s13, $0xb8;
	[tilespmem:$0x1980] =	vst v63  }
0x1f: {  	_ =	swait.ge [sflag:s11], $0x80  }
0x20: {  	s16 =	simm.s32 $0x200;
	[sflag:s11] =	ssyncset.done $0x0  }
.LBB2_2:
0x21: {  	s17 =	sshra.s32 s16, $0x2;
	[sflag:s11] =	ssyncadd.s32 $0xFFFFFF80;
	p0 =	sne.s32 s16, $0x4E00  }
0x22: {  	[spmem:s2] =	stream.indirect.scatter.add.f32 [tilespmem:s12], [sflag:$0x1], $0x1, s17, s13, $0xb8;
	[tilespmem:$0x1980] =	vst v63  }
.Ltmp0:
0x23: {  	_ = 	snop;
	(pc) =	sbr.rel @p0 .LBB2_2-.Ltmp0, $4  }
0x24: {  	_ = 	snop  }
0x25: {  	s16 =	sadd.s32 $0x200, s16  }
0x26: {  	_ =	swait.ge [sflag:s11], $0x80  }
0x27: {  	[sflag:s11] =	ssyncset.done $0x0  }
0x28: {  	[sflag:s11] =	ssyncadd.s32 $0xFFFFFF80  }
0x29: {  	[bflag:$0x0] =	sbarrier.arrive $0xFFFF  }
0x2a: {  	[tilespmem:s10], [sflag:$0x1] =	stream.linear.gather [spmem:s6], $0x280, $0x38;
	[tilespmem:$0x1980] =	vst v63  }
0x2b: {  	s15 =	sadd.s32 $0x1, s15;
	_ =	swait.ge [sflag:s11], $0x280  }
0x2c: {  	p0 =	sne.s32 s15, s9;
	[sflag:s11] =	ssyncset.done $0x0  }
.Ltmp1:
0x2d: {  	[sflag:s11] =	ssyncadd.s32 $0xFFFFFD80;
	(pc) =	sbr.rel @p0 .LBB2_1-.Ltmp1, $4  }
0x2e: {  	[hbm4b:s8+s13] =	stream.strided.scatter [tilespmem:s10], [sflag:$0x1], $0x280, s14, s13, $0x38;
	[tilespmem:$0x1980] =	vst v63  }
0x2f: {  	_ =	swait.ge [sflag:s11], $0x280  }
0x30: {  	[sflag:s11] =	ssyncset.done $0x0  }
0x31: {  	[sflag:s11] =	ssyncadd.s32 $0xFFFFFD80  }
0x32: {  	_ =	sfence.sel $0x180000  }
0x33: {  	[bflag:$0x0] =	sbarrier.arrive $0xFFFF  }
0x34: {  	p0 =	sne.s32 s0, $0x0;
	_ =	strace $0x90000047  }
0x35: {  	s0 =	sadd.s32 @!p0 $0x100000, s1;
	[bflag:$0x2] =	sbarrier.arrive $0xFFFF  }
0x36: {  	[sflag:s0] =	ssyncadd.tile.s32 @!p0 $0x1;
	_ =	shalt  }
.Lfunc_end2:
_tile_overlayer_lowered:
.L_overlay_start_2:
0x37: {  	(tag) =	ssettag $0x2  }
0x38: {  	s0 =	rddreg [dreg:$0x0];
	s2 =	stileid.u32  }
0x39: {  	s1 =	rddreg [dreg:$0x1];
	p0 =	sne.s32 s2, $0x0  }
0x3a: {  	s3 =	rddreg [dreg:$0x2];
	[bflag:$0x3] =	sbarrier.arrive $0xFFFF;
	s2 =	simm.s32 @!p0 $0x1C01  }
0x3b: {  	[timem:s3], [sflag:s2] =	dma.local @!p0 [hbm:s0], s1  }
0x3c: {  	s0 =	simm.s32 @!p0 $0x1  }
0x3d: {  	_ =	swait.ge @!p0 [sflag:s0], s1  }
0x3e: {  	s1 =	ssub.s32 @!p0 $0x0, s1;
	[sflag:s0] =	ssyncset.done @!p0 $0x0  }
0x3f: {  	[sflag:s0] =	ssyncadd.s32 @!p0 s1  }
0x40: {  	[bflag:$0x3] =	sbarrier.arrive $0xFFFF  }
0x41: {  	_ =	shalt  }

// kernel: kernel.14.cloned.1.call-start
scs
__scs_entry_jumppad:
0x0: {  	(pc) =	sbr.rel $0x88, $3  }
0x1: {  	(tag) =	ssettag $0x0;
	lr =	simm.s32 $0x1  }
0x2: {  	[smem:$0x3F99] =	sst lr;
	_ =	strace $0xD0000000  }
0x3: {  	_ = 	snop  }
0x4: {  	_ = 	snop  }
0x5: {  	_ = 	snop  }
0x6: {  	_ = 	snop  }
0x7: {  	_ = 	snop  }
__scs_overlays_trampoline_lowered:
0x8: {  	[smem:$0x3FA8] =	sst s0  }
0x9: {  	[smem:$0x3FA9] =	sst s1  }
0xa: {  	[smem:$0x3FAA] =	sst s2  }
0xb: {  	[smem:$0x3FAB] =	sst s3  }
0xc: {  	[smem:$0x3FAC] =	sst s4  }
0xd: {  	[smem:$0x3FAD] =	sst s5  }
0xe: {  	[smem:$0x3FAE] =	sst s6  }
0xf: {  	[smem:$0x3FAF] =	sst s7  }
0x10: {  	[smem:$0x3FB0] =	sst s8  }
0x11: {  	[smem:$0x3FB1] =	sst s9;
	s0 =	simm.s32 @!p0 $0x0  }
0x12: {  	s1 =	sld [smem:$0x3F97];
	s0 =	simm.s32 @p0 $0x1  }
0x13: {  	[smem:$0x3FB2] =	sst s0;
	s0 =	simm.s32 @!p1 $0x0  }
0x14: {  	s2 =	sld [smem:$0x3F96];
	s0 =	simm.s32 @p1 $0x1  }
0x15: {  	[smem:$0x3FB3] =	sst s0;
	s0 =	simm.s32 @!p2 $0x0  }
0x16: {  	s3 =	sld [smem:$0x3FDB];
	s0 =	simm.s32 @p2 $0x1  }
0x17: {  	s4 =	simm.s32 $0x1BF5;
	[smem:$0x3FB5] =	sst s0  }
0x18: {  	s0 =	sld [smem:$0x3F98];
	_ =	swait.ge [sflag:s4], $0x0  }
0x19: {  	s7 =	sld [smem:$0x3F99]  }
0x1a: {  	s8 =	sadd.s32 $0xFFFFE003, lr  }
0x1b: {  	s9 =	sadd.s32 $0xFFFFFEF7, lr;
	s5 =	simm.s32 $0xFFFFFFFF;
	p2 =	slt.u32 s8, $0xFFFFF086  }
0x1c: {  	p1 =	slt.u32 s9, $0xF7A;
	s5 =	simm.s32 @!p2 $0x0  }
0x1d: {  	s5 =	simm.s32 @p1 $0x1;
	p0 =	seq.s32 s7, s2  }
0x1e: {  	s7 =	smul.u32 @!p0 $0xF7A, s2;
	p2 =	seq.s32 @!p0 s5, $0x0  }
0x1f: {  	s9 =	smul.u32 $0xF7A, s1;
	s8 =	simm.s32 @!p0 $0x1BF5;
	p2 =	por !p2, p0  }
0x20: {  	[sflag:s8] =	ssyncset.s32 @!p0 $0xFFFFF086;
	s6 =	sadd.s32 @!p0 s3, s7;
	s7 =	simm.s32 @!p0 $0x108  }
0x21: {  	s3 =	sadd.s32 s3, s9;
	s6 =	sadd.s32 @!p0 $0x88, s6;
	s7 =	simm.s32 @p2 $0x1082  }
0x22: {  	[simem:s7], [sflag:s8] =	dma.local @!p0 [hbm:s6], $0xF7A  }
0x23: {  	s9 =	sor.u32 $0xD0000000, s2;
	s6 =	simm.s32 $0x108;
	_ =	swait.ge @!p0 [sflag:s8], $0x0  }
0x24: {  	s3 =	sadd.s32 $0x88, s3;
	s6 =	simm.s32 @!p1 $0x1082;
	[sflag:s4] =	ssyncset.s32 $0xFFFFF086  }
0x25: {  	[simem:s6], [sflag:s4] =	dma.local [hbm:s3], $0xF7A  }
0x26: {  	[smem:$0x3F99] =	sst s1;
	(tag) =	ssettag s2;
	_ =	strace s9  }
0x27: {  	s1 =	sld [smem:$0x3FA9]  }
0x28: {  	s2 =	sld [smem:$0x3FAA]  }
0x29: {  	s4 =	sld [smem:$0x3FAC]  }
0x2a: {  	p0 =	seq.s32 s5, $0x0;
	s5 =	sld [smem:$0x3FAD]  }
0x2b: {  	s6 =	sld [smem:$0x3FAE]  }
0x2c: {  	s7 =	sld [smem:$0x3FAF]  }
0x2d: {  	s3 =	simm.s32 $0x108;
	s8 =	sld [smem:$0x3FB0]  }
0x2e: {  	s3 =	simm.s32 @!p0 $0x1082;
	s9 =	sld [smem:$0x3FB1]  }
0x2f: {  	lr =	sadd.s32 s0, s3;
	s0 =	sld [smem:$0x3FA8]  }
0x30: {  	s3 =	sld [smem:$0x3FAB]  }
0x31: {  	[smem:$0x3FB4] =	sst s10  }
0x32: {  	s10 =	sld [smem:$0x3FB2];
	_ =	sdelay $0x3  }
0x33: {  	p0 =	seq.s32 s10, $0x1;
	s10 =	sld [smem:$0x3FB4];
	_ =	sdelay $0x3  }
0x34: {  	[smem:$0x3FB4] =	sst s10  }
0x35: {  	s10 =	sld [smem:$0x3FB3];
	_ =	sdelay $0x3  }
0x36: {  	p1 =	seq.s32 s10, $0x1;
	s10 =	sld [smem:$0x3FB4];
	_ =	sdelay $0x3  }
0x37: {  	[smem:$0x3FB4] =	sst s10  }
0x38: {  	s10 =	sld [smem:$0x3FB5]  }
0x39: {  	_ = 	snop;
	(pc) =	sbr.ind lr, $3  }
0x3a: {  	_ = 	snop  }
0x3b: {  	_ = 	snop  }
0x3c: {  	p2 =	seq.s32 s10, $0x1;
	s10 =	sld [smem:$0x3FB4]  }
0x3d: {  	_ =	shalt  }
0x3e: {  	_ =	shalt  }
0x3f: {  	_ =	shalt  }
0x40: {  	_ =	shalt  }
0x41: {  	_ =	shalt  }
0x42: {  	_ =	shalt  }
0x43: {  	_ =	shalt  }
0x44: {  	_ =	shalt  }
0x45: {  	_ =	shalt  }
0x46: {  	_ =	shalt  }
0x47: {  	_ =	shalt  }
0x48: {  	_ =	shalt  }
0x49: {  	_ =	shalt  }
0x4a: {  	_ =	shalt  }
0x4b: {  	_ =	shalt  }
0x4c: {  	_ =	shalt  }
0x4d: {  	_ =	shalt  }
0x4e: {  	_ =	shalt  }
0x4f: {  	_ =	shalt  }
0x50: {  	_ =	shalt  }
0x51: {  	_ =	shalt  }
0x52: {  	_ =	shalt  }
0x53: {  	_ =	shalt  }
0x54: {  	_ =	shalt  }
0x55: {  	_ =	shalt  }
0x56: {  	_ =	shalt  }
0x57: {  	_ =	shalt  }
0x58: {  	_ =	shalt  }
0x59: {  	_ =	shalt  }
0x5a: {  	_ =	shalt  }
0x5b: {  	_ =	shalt  }
0x5c: {  	_ =	shalt  }
0x5d: {  	_ =	shalt  }
0x5e: {  	_ =	shalt  }
0x5f: {  	_ =	shalt  }
0x60: {  	_ =	shalt  }
0x61: {  	_ =	shalt  }
0x62: {  	_ =	shalt  }
0x63: {  	_ =	shalt  }
0x64: {  	_ =	shalt  }
0x65: {  	_ =	shalt  }
0x66: {  	_ =	shalt  }
0x67: {  	_ =	shalt  }
0x68: {  	_ =	shalt  }
0x69: {  	_ =	shalt  }
0x6a: {  	_ =	shalt  }
0x6b: {  	_ =	shalt  }
0x6c: {  	_ =	shalt  }
0x6d: {  	_ =	shalt  }
0x6e: {  	_ =	shalt  }
0x6f: {  	_ =	shalt  }
0x70: {  	_ =	shalt  }
0x71: {  	_ =	shalt  }
0x72: {  	_ =	shalt  }
0x73: {  	_ =	shalt  }
0x74: {  	_ =	shalt  }
0x75: {  	_ =	shalt  }
0x76: {  	_ =	shalt  }
0x77: {  	_ =	shalt  }
0x78: {  	_ =	shalt  }
0x79: {  	_ =	shalt  }
0x7a: {  	_ =	shalt  }
0x7b: {  	_ =	shalt  }
0x7c: {  	_ =	shalt  }
0x7d: {  	_ =	shalt  }
0x7e: {  	_ =	shalt  }
0x7f: {  	_ =	shalt  }
0x80: {  	_ =	shalt  }
0x81: {  	_ =	shalt  }
0x82: {  	_ =	shalt  }
0x83: {  	_ =	shalt  }
0x84: {  	_ =	shalt  }
0x85: {  	_ =	shalt  }
0x86: {  	_ =	shalt  }
0x87: {  	_ =	shalt  }
.Lfunc_end0:
.L_simem_size_0:
called_computation.2_lowered:
.L_overlay_start_0:
0x88: {  	s2 =	sld [smem:$0x3FD9]  }
0x89: {  	s3 =	sld [smem:$0x3FFE];
	_ =	sdelay $0x1  }
0x8a: {  	s1 =	srdreg.scid  }
0x8b: {  	s0 =	sand.u32 $0x1, s1  }
0x8c: {  	s17 =	sshll.u32 s0, $0xA;
	s2 =	sadd.s32 s3, s2  }
0x8d: {  	s2 =	sadd.s32 s2, s17  }
0x8e: {  	[smem:$0x3FC0] =	sst s2  }
0x8f: {  	_ = 	snop  }
0x90: {  	s2 =	sld [smem:$0x3FD0];
	(tm) =	ssettm $0x1  }
0x91: {  	s18 =	sld [smem:$0x3FFB];
	_ =	sdelay $0x3  }
0x92: {  	_ =	strace s18  }
0x93: {  	s3 =	sld [smem:$0x3FFC];
	_ =	sdelay $0x3  }
0x94: {  	_ =	strace s3  }
0x95: {  	s3 =	sld [smem:$0x3FFD];
	_ =	sdelay $0x3  }
0x96: {  	_ =	strace s3  }
0x97: {  	_ =	strace $0x8FFFFFFF  }
0x98: {  	s19 =	sld [smem:$0x3FDB];
	_ =	sdelay $0x1  }
0x99: {  	s4 =	simm.s32 $_scs_section_size  }
0x9a: {  	s5 =	simm.s32 $_size__tile_overlayer_lowered;
	s6 =	simm.s32 $_tile_overlayer_lowered  }
0x9b: {  	s22 =	simm.s32 $0x1BFF;
	s21 =	sshll.u32 s6, $0x1;
	s3 =	sadd.s32 s4, s19  }
0x9c: {  	s7 =	simm.s32 $0x0;
	s20 =	sshll.u32 s5, $0x1;
	s5 =	sadd.s32 s21, s3  }
0x9d: {  	[timem:s7], [sflag:s22] =	dma.local [hbm:s5], s20  }
0x9e: {  	_ =	swait.ge [sflag:s22], s20  }
0x9f: {  	s4 =	ssub.s32 $0x0, s20;
	[sflag:s22] =	ssyncset.done $0x0  }
0xa0: {  	[sflag:s22] =	ssyncadd.s32 s4;
	_ =	sdelay $0x1  }
0xa1: {  	s23 =	simm.s32 $0x1B8B  }
0xa2: {  	_ =	swait.ge [sflag:s23], $0x1  }
0xa3: {  	[sflag:s23] =	ssyncset.done $0x0  }
0xa4: {  	s25 =	simm.s32 $0x1B8E;
	s24 =	sld [smem:$0x3FFE];
	[sflag:s23] =	ssyncadd.s32 $0xFFFFFFFF  }
0xa5: {  	s26 =	simm.s32 $execute0_lowered;
	[smem:$0x3FD2] =	sst s25  }
0xa6: {  	s5 =	sshll.u32 s26, $0x1;
	_ =	strace $0x8000004C;
	[dreg:$0x1] =	wrdreg $0xFFFFFFFF  }
0xa7: {  	s28 =	simm.s32 $_size_execute0_lowered;
	s3 =	sadd.s32 s3, s5;
	[dreg:$0x0] =	wrdreg $0x0  }
0xa8: {  	s5 =	sshll.u32 s28, $0x1;
	[dreg:$0x2] =	wrdreg s3  }
0xa9: {  	[dreg:$0x3] =	wrdreg s5  }
0xaa: {  	[dreg:$0x4] =	wrdreg $0xC0  }
0xab: {  	_ =	task [dreg:s7], $0x5FFFF  }
0xac: {  	[dreg:$0x1] =	wrdreg $0xFFFFFFFF  }
0xad: {  	[dreg:$0x0] =	wrdreg $0x60  }
0xae: {  	[dreg:$0x2] =	wrdreg s24  }
0xaf: {  	[dreg:$0x3] =	wrdreg s2  }
0xb0: {  	[dreg:$0x4] =	wrdreg $0xA8000  }
0xb1: {  	[dreg:$0x5] =	wrdreg $0x9  }
0xb2: {  	_ =	task.clear_ibuf [dreg:s7], $0x6FFFF;
	_ =	strace $0x9000004C  }
0xb3: {  	s29 =	simm.s32 $0x9;
	_ =	strace $0x8000004E  }
0xb4: {  	_ =	swait.ge [sflag:s29], $0x1  }
0xb5: {  	[sflag:s29] =	ssyncadd.s32 $0xFFFFFFFF  }
0xb6: {  	_ =	strace $0x9000004E  }
0xb7: {  	_ =	sfence  }
0xb8: {  	s30 =	sld [smem:$0x0];
	_ =	sdelay $0x2  }
0xb9: {  	s31 =	sshll.u32 s1, $0xD;
	s1 =	sshrl.u32 s1, $0x2  }
0xba: {  	s3 =	sand.u32 $0x4000, s31;
	s1 =	sadd.s32 s1, s30  }
0xbb: {  	s0 =	sor.u32 s3, s0;
	s1 =	sshll.u32 s1, $0x11  }
0xbc: {  	s0 =	sor.u32 s1, s0  }
0xbd: {  	s0 =	sadd.s32 $0x8F2B, s0  }
0xbe: {  	[sflag:s0] =	ssyncadd.remote.s32 $0x1  }
0xbf: {  	_ =	sfence.sel $0xFFFF  }
0xc0: {  	[dreg:$0x0] =	wrdreg $0xFFFFFFFF;
	(pc) =	sbr.abs _section_cstart, $3  }
0xc1: {  	[dreg:$0x1] =	wrdreg $0xFFFFFFFF  }
0xc2: {  	_ =	task.clear_ibuf [dreg:s7], $0x2FFFF;
	_ =	strace $0x9FFFFFFF  }
0xc3: {  	(tm) =	ssettm $0x7FFFFFFF  }
tec
execute0_lowered:
.L_overlay_start_1:
0x0: {  	(tag) =	ssettag $0x1  }
0x1: {  	s0 =	rddreg [dreg:$0x0]  }
0x2: {  	s3 =	rddreg [dreg:$0x1]  }
0x3: {  	s1 =	rddreg [dreg:$0x2];
	s2 =	simm.s32 $0x0  }
0x4: {  	s5 =	srdreg.scid;
	s9 =	stileid.u32;
	s28 =	simm.s32 $0x2  }
0x5: {  	s29 =	simm.s32 $0x1380;
	s30 =	simm.s32 $0x2700;
	s31 =	simm.s32 $0x2780  }
0x6: {  	[smem:$0x7FF] =	sst s2;
	s4 =	sadd.s32 $0x6800, s0;
	s6 =	smul.u32 $0x50000, s9  }
0x7: {  	s14 =	sadd.s32 $0x1800, s0;
	s5 =	sand.u32 $0x1, s5;
	s15 =	smul.u32 $0x14000, s9  }
0x8: {  	s7 =	sadd.s32 $0xA4800, s0;
	s0 =	sadd.s32 $0xA5000, s0;
	s12 =	smul.u32 $0x2800, s9  }
0x9: {  	_ =	strace $0x8000004D;
	s24 =	ssub.s32 $0x2, s5;
	s11 =	smul.u32 $0x28000, s5  }
0xa: {  	[dreg:$0x4] =	wrdreg s7;
	s5 =	smul.u32 $0x140000, s5;
	s8 =	sshrl.u32 s24, $0x1  }
0xb: {  	s6 =	sshrl.u32 s6, $0x2;
	s16 =	sadd.s32 $0x4000, s15;
	s17 =	sadd.s32 $0x8000, s15  }
0xc: {  	s18 =	sadd.s32 $0xC000, s15;
	s19 =	sadd.s32 $0x10000, s15;
	s21 =	sadd.s32 $0x1400, s12  }
0xd: {  	s20 =	ssub.s32 s24, s8;
	s6 =	sadd.s32 s6, s1;
	s7 =	sadd.s32 s16, s1  }
0xe: {  	s8 =	sadd.s32 s17, s1;
	s9 =	sadd.s32 s18, s1;
	s13 =	sadd.s32 s12, s11  }
0xf: {  	s10 =	sadd.s32 s19, s1;
	s12 =	sshrl.u32 s12, $0x3;
	s22 =	sadd.s32 s11, s21  }
0x10: {  	s15 =	sadd.s32 s15, s5;
	s23 =	sshrl.u32 s21, $0x3;
	s21 =	simm.s32 $0x2800  }
0x11: {  	s13 =	sshrl.u32 s13, $0x3;
	s26 =	sadd.s32 s14, s12;
	s12 =	sshrl.u32 s22, $0x3  }
0x12: {  	s22 =	sadd.s32 s5, s16;
	s14 =	sadd.s32 s14, s23;
	s20 =	smax.u32 s20, $0x1  }
0x13: {  	s23 =	simm.s32 $0x1400;
	s25 =	sadd.s32 s3, s13;
	[dreg:$0x6] =	wrdreg s26  }
0x14: {  	s3 =	sadd.s32 s3, s12;
	s24 =	sshrl.u32 s22, $0x3;
	[dreg:$0x5] =	wrdreg s25  }
0x15: {  	s26 =	sadd.s32 s5, s18;
	s22 =	simm.s32 $0x3;
	[dreg:$0x7] =	wrdreg s3  }
0x16: {  	s3 =	sshrl.u32 s15, $0x3;
	s16 =	sadd.s32 s0, s24;
	s25 =	sadd.s32 s5, s17  }
0x17: {  	s5 =	sadd.s32 s5, s19;
	s18 =	sshrl.u32 s26, $0x3;
	s24 =	simm.s32 $0x80  }
0x18: {  	s26 =	simm.s32 $0x1;
	s15 =	sadd.s32 s0, s3;
	s3 =	sshrl.u32 s25, $0x3  }
0x19: {  	s5 =	sshrl.u32 s5, $0x3;
	s18 =	sadd.s32 s0, s18;
	s25 =	simm.s32 $0x6800  }
0x1a: {  	s17 =	sadd.s32 s0, s3;
	s19 =	sadd.s32 s0, s5;
	s0 =	simm.s32 $0x0  }
.LBB2_1:
0x1b: {  	s3 =	rddreg [dreg:$0x4]  }
0x1c: {  	[tilespmem:s21], [sflag:$0x3] =	stream.linear.gather [hbm4b:s3+s2], $0x4000, $0x38;
	[tilespmem:$0x1E800] =	vst v63  }
0x1d: {  	_ =	swait.ge [sflag:s22], $0x4000  }
0x1e: {  	[sflag:s22] =	ssyncset.done $0x0  }
0x1f: {  	[sflag:s22] =	ssyncadd.s32 $0xFFFFC000  }
0x20: {  	[spmem:s6] =	stream.linear.scatter [tilespmem:s21], [sflag:$0x3], $0x4000, $0x38;
	[tilespmem:$0x1E800] =	vst v63  }
0x21: {  	_ =	swait.ge [sflag:s22], $0x4000  }
0x22: {  	[sflag:s22] =	ssyncset.done $0x0  }
0x23: {  	[sflag:s22] =	ssyncadd.s32 $0xFFFFC000  }
0x24: {  	[spmem:s7] =	stream.linear.scatter [tilespmem:s21], [sflag:$0x3], $0x4000, $0x38;
	[tilespmem:$0x1E800] =	vst v63  }
0x25: {  	_ =	swait.ge [sflag:s22], $0x4000  }
0x26: {  	[sflag:s22] =	ssyncset.done $0x0  }
0x27: {  	[sflag:s22] =	ssyncadd.s32 $0xFFFFC000  }
0x28: {  	[spmem:s8] =	stream.linear.scatter [tilespmem:s21], [sflag:$0x3], $0x4000, $0x38;
	[tilespmem:$0x1E800] =	vst v63  }
0x29: {  	_ =	swait.ge [sflag:s22], $0x4000  }
0x2a: {  	[sflag:s22] =	ssyncset.done $0x0  }
0x2b: {  	[sflag:s22] =	ssyncadd.s32 $0xFFFFC000  }
0x2c: {  	[spmem:s9] =	stream.linear.scatter [tilespmem:s21], [sflag:$0x3], $0x4000, $0x38;
	[tilespmem:$0x1E800] =	vst v63  }
0x2d: {  	_ =	swait.ge [sflag:s22], $0x4000  }
0x2e: {  	[sflag:s22] =	ssyncset.done $0x0  }
0x2f: {  	[sflag:s22] =	ssyncadd.s32 $0xFFFFC000  }
0x30: {  	[spmem:s10] =	stream.linear.scatter [tilespmem:s21], [sflag:$0x3], $0x4000, $0x38;
	[tilespmem:$0x1E800] =	vst v63  }
0x31: {  	_ =	swait.ge [sflag:s22], $0x4000  }
0x32: {  	[sflag:s22] =	ssyncset.done $0x0  }
0x33: {  	[sflag:s22] =	ssyncadd.s32 $0xFFFFC000  }
0x34: {  	[bflag:$0x0] =	sbarrier.arrive $0xFFFF  }
0x35: {  	s12 =	rddreg [dreg:$0x5]  }
0x36: {  	[tilespmem:s2], [sflag:$0x3] =	stream.linear.gather [hbm4b:s12+s2], $0x1400, $0x38;
	[tilespmem:$0x1E800] =	vst v63  }
0x37: {  	_ =	swait.ge [sflag:s22], $0x1400  }
0x38: {  	[sflag:s22] =	ssyncset.done $0x0  }
0x39: {  	s13 =	rddreg [dreg:$0x6];
	[sflag:s22] =	ssyncadd.s32 $0xFFFFEC00  }
0x3a: {  	[tilespmem:s23], [sflag:$0x3] =	stream.linear.gather [hbm4b:s13+s2], $0x1400, $0x38;
	[tilespmem:$0x1E800] =	vst v63  }
0x3b: {  	_ =	swait.ge [sflag:s22], $0x1400  }
0x3c: {  	[sflag:s22] =	ssyncset.done $0x0  }
0x3d: {  	[sflag:s22] =	ssyncadd.s32 $0xFFFFEC00  }
0x3e: {  	[tilespmem:s21], [sflag:$0x1] =	stream.indirect.gather [hbm4b:s4+s24], $0x80, s2, s24, $0xb8;
	[tilespmem:$0x1E800] =	vst v63  }
0x3f: {  	s5 =	simm.s32 $0x80  }
0x40: {  	[tilespmem:s25], [sflag:$0x2] =	stream.indirect.gather [hbm4b:s4+s24], $0x80, s5, s24, $0xb8;
	[tilespmem:$0x1E800] =	vst v63  }
0x41: {  	_ =	swait.ge [sflag:s26], $0x4000  }
0x42: {  	[sflag:s26] =	ssyncset.done $0x0  }
0x43: {  	s11 =	simm.s32 $0x1400;
	[sflag:s26] =	ssyncadd.s32 $0xFFFFC000  }
0x44: {  	[spmem:s1] =	stream.indirect.scatter.add.f32 [tilespmem:s21], [sflag:$0x3], $0x80, s11, s24, $0xb8;
	[tilespmem:$0x1E800] =	vst v63  }
0x45: {  	_ =	swait.ge [sflag:s22], $0x4000  }
0x46: {  	[sflag:s22] =	ssyncset.done $0x0  }
0x47: {  	s12 =	simm.s32 $0x100;
	[sflag:s22] =	ssyncadd.s32 $0xFFFFC000  }
0x48: {  	[tilespmem:s21], [sflag:$0x1] =	stream.indirect.gather [hbm4b:s4+s24], $0x80, s12, s24, $0xb8;
	[tilespmem:$0x1E800] =	vst v63  }
0x49: {  	_ =	swait.ge [sflag:s28], $0x4000  }
0x4a: {  	[sflag:s28] =	ssyncset.done $0x0  }
0x4b: {  	s13 =	simm.s32 $0x1480;
	[sflag:s28] =	ssyncadd.s32 $0xFFFFC000  }
0x4c: {  	[spmem:s1] =	stream.indirect.scatter.add.f32 [tilespmem:s25], [sflag:$0x3], $0x80, s13, s24, $0xb8;
	[tilespmem:$0x1E800] =	vst v63  }
0x4d: {  	_ =	swait.ge [sflag:s22], $0x4000  }
0x4e: {  	s3 =	simm.s32 $0x100;
	s5 =	simm.s32 $0x800;
	[sflag:s22] =	ssyncset.done $0x0  }
.LBB2_2:
0x4f: {  	s11 =	sadd.s32 $0x80, s3  }
0x50: {  	[sflag:s22] =	ssyncadd.s32 $0xFFFFC000;
	s12 =	smov.u32 s5;
	s13 =	sadd.s32 $0x400, s5  }
0x51: {  	[tilespmem:s25], [sflag:$0x2] =	stream.indirect.gather [hbm4b:s4+s24], $0x80, s11, s24, $0xb8;
	[tilespmem:$0x1E800] =	vst v63  }
0x52: {  	p0 =	sne.s32 s5, $0x4800;
	_ =	swait.ge [sflag:s26], $0x4000  }
0x53: {  	[sflag:s26] =	ssyncset.done $0x0  }
0x54: {  	s5 =	sadd.s32 $0x1400, s3;
	[sflag:s26] =	ssyncadd.s32 $0xFFFFC000  }
0x55: {  	[spmem:s1] =	stream.indirect.scatter.add.f32 [tilespmem:s21], [sflag:$0x3], $0x80, s5, s24, $0xb8;
	[tilespmem:$0x1E800] =	vst v63  }
0x56: {  	_ =	swait.ge [sflag:s22], $0x4000  }
0x57: {  	[sflag:s22] =	ssyncset.done $0x0  }
0x58: {  	s5 =	sadd.s32 $0x100, s3;
	[sflag:s22] =	ssyncadd.s32 $0xFFFFC000  }
0x59: {  	[tilespmem:s21], [sflag:$0x1] =	stream.indirect.gather [hbm4b:s4+s24], $0x80, s5, s24, $0xb8;
	[tilespmem:$0x1E800] =	vst v63  }
0x5a: {  	_ =	swait.ge [sflag:s28], $0x4000  }
.Ltmp0:
0x5b: {  	[sflag:s28] =	ssyncset.done $0x0;
	(pc) =	sbr.rel @p0 .LBB2_2-.Ltmp0, $4  }
0x5c: {  	s3 =	sadd.s32 $0x1480, s3;
	[sflag:s28] =	ssyncadd.s32 $0xFFFFC000  }
0x5d: {  	[spmem:s1] =	stream.indirect.scatter.add.f32 [tilespmem:s25], [sflag:$0x3], $0x80, s3, s24, $0xb8;
	[tilespmem:$0x1E800] =	vst v63  }
0x5e: {  	_ =	swait.ge [sflag:s22], $0x4000  }
0x5f: {  	s5 =	smov.u32 s13;
	s3 =	sshra.s32 s12, $0x2;
	[sflag:s22] =	ssyncset.done $0x0  }
0x60: {  	s5 =	sadd.s32 $0x80, s3;
	[sflag:s22] =	ssyncadd.s32 $0xFFFFC000  }
0x61: {  	[tilespmem:s25], [sflag:$0x2] =	stream.indirect.gather [hbm4b:s4+s24], $0x80, s5, s24, $0xb8;
	[tilespmem:$0x1E800] =	vst v63  }
0x62: {  	_ =	swait.ge [sflag:s26], $0x4000  }
0x63: {  	[sflag:s26] =	ssyncset.done $0x0  }
0x64: {  	s12 =	sadd.s32 $0x1400, s3;
	[sflag:s26] =	ssyncadd.s32 $0xFFFFC000  }
0x65: {  	[spmem:s1] =	stream.indirect.scatter.add.f32 [tilespmem:s21], [sflag:$0x3], $0x80, s12, s24, $0xb8;
	[tilespmem:$0x1E800] =	vst v63  }
0x66: {  	_ =	swait.ge [sflag:s22], $0x4000  }
0x67: {  	[sflag:s22] =	ssyncset.done $0x0  }
0x68: {  	s13 =	sadd.s32 $0x100, s3;
	[sflag:s22] =	ssyncadd.s32 $0xFFFFC000  }
0x69: {  	[tilespmem:s21], [sflag:$0x1] =	stream.indirect.gather [hbm4b:s4+s24], $0x80, s13, s24, $0xb8;
	[tilespmem:$0x1E800] =	vst v63  }
0x6a: {  	_ =	swait.ge [sflag:s28], $0x4000  }
0x6b: {  	[sflag:s28] =	ssyncset.done $0x0  }
0x6c: {  	s11 =	sadd.s32 $0x1480, s3;
	[sflag:s28] =	ssyncadd.s32 $0xFFFFC000  }
0x6d: {  	[spmem:s1] =	stream.indirect.scatter.add.f32 [tilespmem:s25], [sflag:$0x3], $0x80, s11, s24, $0xb8;
	[tilespmem:$0x1E800] =	vst v63  }
0x6e: {  	_ =	swait.ge [sflag:s22], $0x4000  }
0x6f: {  	[sflag:s22] =	ssyncset.done $0x0  }
0x70: {  	[sflag:s22] =	ssyncadd.s32 $0xFFFFC000  }
0x71: {  	[tilespmem:s25], [sflag:$0x2] =	stream.indirect.gather [hbm4b:s4+s24], $0x80, s29, s24, $0xb8;
	[tilespmem:$0x1E800] =	vst v63  }
0x72: {  	_ =	swait.ge [sflag:s26], $0x4000  }
0x73: {  	[sflag:s26] =	ssyncset.done $0x0  }
0x74: {  	[sflag:s26] =	ssyncadd.s32 $0xFFFFC000  }
0x75: {  	[spmem:s1] =	stream.indirect.scatter.add.f32 [tilespmem:s21], [sflag:$0x3], $0x80, s30, s24, $0xb8;
	[tilespmem:$0x1E800] =	vst v63  }
0x76: {  	_ =	swait.ge [sflag:s22], $0x4000  }
0x77: {  	[sflag:s22] =	ssyncset.done $0x0  }
0x78: {  	[sflag:s22] =	ssyncadd.s32 $0xFFFFC000  }
0x79: {  	_ =	swait.ge [sflag:s28], $0x4000  }
0x7a: {  	[sflag:s28] =	ssyncset.done $0x0  }
0x7b: {  	[sflag:s28] =	ssyncadd.s32 $0xFFFFC000  }
0x7c: {  	[spmem:s1] =	stream.indirect.scatter.add.f32 [tilespmem:s25], [sflag:$0x3], $0x80, s31, s24, $0xb8;
	[tilespmem:$0x1E800] =	vst v63  }
0x7d: {  	_ =	swait.ge [sflag:s22], $0x4000  }
0x7e: {  	[sflag:s22] =	ssyncset.done $0x0  }
0x7f: {  	s12 =	simm.s32 $0x0;
	s13 =	rddreg [dreg:$0x7];
	[sflag:s22] =	ssyncadd.s32 $0xFFFFC000  }
0x80: {  	[tilespmem:s12], [sflag:$0x3] =	stream.linear.gather [hbm4b:s13+s12], $0x1400, $0x38;
	[tilespmem:$0x1E800] =	vst v63  }
0x81: {  	_ =	swait.ge [sflag:s22], $0x1400  }
0x82: {  	[sflag:s22] =	ssyncset.done $0x0  }
0x83: {  	[sflag:s22] =	ssyncadd.s32 $0xFFFFEC00  }
0x84: {  	[tilespmem:s23], [sflag:$0x3] =	stream.linear.gather [hbm4b:s14+s12], $0x1400, $0x38;
	[tilespmem:$0x1E800] =	vst v63  }
0x85: {  	_ =	swait.ge [sflag:s22], $0x1400  }
0x86: {  	[sflag:s22] =	ssyncset.done $0x0  }
0x87: {  	[sflag:s22] =	ssyncadd.s32 $0xFFFFEC00  }
0x88: {  	[tilespmem:s21], [sflag:$0x1] =	stream.indirect.gather [hbm4b:s4+s24], $0x80, s12, s24, $0xb8;
	[tilespmem:$0x1E800] =	vst v63  }
0x89: {  	s5 =	simm.s32 $0x80  }
0x8a: {  	[tilespmem:s25], [sflag:$0x2] =	stream.indirect.gather [hbm4b:s4+s24], $0x80, s5, s24, $0xb8;
	[tilespmem:$0x1E800] =	vst v63  }
0x8b: {  	_ =	swait.ge [sflag:s26], $0x4000  }
0x8c: {  	[sflag:s26] =	ssyncset.done $0x0  }
0x8d: {  	s11 =	simm.s32 $0x1400;
	[sflag:s26] =	ssyncadd.s32 $0xFFFFC000  }
0x8e: {  	[spmem:s1] =	stream.indirect.scatter.add.f32 [tilespmem:s21], [sflag:$0x3], $0x80, s11, s24, $0xb8;
	[tilespmem:$0x1E800] =	vst v63  }
0x8f: {  	_ =	swait.ge [sflag:s22], $0x4000  }
0x90: {  	[sflag:s22] =	ssyncset.done $0x0  }
0x91: {  	s12 =	simm.s32 $0x100;
	[sflag:s22] =	ssyncadd.s32 $0xFFFFC000  }
0x92: {  	[tilespmem:s21], [sflag:$0x1] =	stream.indirect.gather [hbm4b:s4+s24], $0x80, s12, s24, $0xb8;
	[tilespmem:$0x1E800] =	vst v63  }
0x93: {  	_ =	swait.ge [sflag:s28], $0x4000  }
0x94: {  	[sflag:s28] =	ssyncset.done $0x0  }
0x95: {  	s13 =	simm.s32 $0x1480;
	[sflag:s28] =	ssyncadd.s32 $0xFFFFC000  }
0x96: {  	[spmem:s1] =	stream.indirect.scatter.add.f32 [tilespmem:s25], [sflag:$0x3], $0x80, s13, s24, $0xb8;
	[tilespmem:$0x1E800] =	vst v63  }
0x97: {  	_ =	swait.ge [sflag:s22], $0x4000  }
0x98: {  	s3 =	simm.s32 $0x100;
	s5 =	simm.s32 $0x800;
	[sflag:s22] =	ssyncset.done $0x0  }
.LBB2_4:
0x99: {  	s11 =	sadd.s32 $0x80, s3  }
0x9a: {  	[sflag:s22] =	ssyncadd.s32 $0xFFFFC000;
	s12 =	smov.u32 s5;
	s13 =	sadd.s32 $0x400, s5  }
0x9b: {  	[tilespmem:s25], [sflag:$0x2] =	stream.indirect.gather [hbm4b:s4+s24], $0x80, s11, s24, $0xb8;
	[tilespmem:$0x1E800] =	vst v63  }
0x9c: {  	p0 =	sne.s32 s5, $0x4800;
	_ =	swait.ge [sflag:s26], $0x4000  }
0x9d: {  	[sflag:s26] =	ssyncset.done $0x0  }
0x9e: {  	s5 =	sadd.s32 $0x1400, s3;
	[sflag:s26] =	ssyncadd.s32 $0xFFFFC000  }
0x9f: {  	[spmem:s1] =	stream.indirect.scatter.add.f32 [tilespmem:s21], [sflag:$0x3], $0x80, s5, s24, $0xb8;
	[tilespmem:$0x1E800] =	vst v63  }
0xa0: {  	_ =	swait.ge [sflag:s22], $0x4000  }
0xa1: {  	[sflag:s22] =	ssyncset.done $0x0  }
0xa2: {  	s5 =	sadd.s32 $0x100, s3;
	[sflag:s22] =	ssyncadd.s32 $0xFFFFC000  }
0xa3: {  	[tilespmem:s21], [sflag:$0x1] =	stream.indirect.gather [hbm4b:s4+s24], $0x80, s5, s24, $0xb8;
	[tilespmem:$0x1E800] =	vst v63  }
0xa4: {  	_ =	swait.ge [sflag:s28], $0x4000  }
.Ltmp1:
0xa5: {  	[sflag:s28] =	ssyncset.done $0x0;
	(pc) =	sbr.rel @p0 .LBB2_4-.Ltmp1, $4  }
0xa6: {  	s3 =	sadd.s32 $0x1480, s3;
	[sflag:s28] =	ssyncadd.s32 $0xFFFFC000  }
0xa7: {  	[spmem:s1] =	stream.indirect.scatter.add.f32 [tilespmem:s25], [sflag:$0x3], $0x80, s3, s24, $0xb8;
	[tilespmem:$0x1E800] =	vst v63  }
0xa8: {  	_ =	swait.ge [sflag:s22], $0x4000  }
0xa9: {  	s5 =	smov.u32 s13;
	s3 =	sshra.s32 s12, $0x2;
	[sflag:s22] =	ssyncset.done $0x0  }
0xaa: {  	s5 =	sadd.s32 $0x80, s3;
	[sflag:s22] =	ssyncadd.s32 $0xFFFFC000  }
0xab: {  	[tilespmem:s25], [sflag:$0x2] =	stream.indirect.gather [hbm4b:s4+s24], $0x80, s5, s24, $0xb8;
	[tilespmem:$0x1E800] =	vst v63  }
0xac: {  	_ =	swait.ge [sflag:s26], $0x4000  }
0xad: {  	[sflag:s26] =	ssyncset.done $0x0  }
0xae: {  	s11 =	sadd.s32 $0x1400, s3;
	[sflag:s26] =	ssyncadd.s32 $0xFFFFC000  }
0xaf: {  	[spmem:s1] =	stream.indirect.scatter.add.f32 [tilespmem:s21], [sflag:$0x3], $0x80, s11, s24, $0xb8;
	[tilespmem:$0x1E800] =	vst v63  }
0xb0: {  	_ =	swait.ge [sflag:s22], $0x4000  }
0xb1: {  	[sflag:s22] =	ssyncset.done $0x0  }
0xb2: {  	s12 =	sadd.s32 $0x100, s3;
	[sflag:s22] =	ssyncadd.s32 $0xFFFFC000  }
0xb3: {  	[tilespmem:s21], [sflag:$0x1] =	stream.indirect.gather [hbm4b:s4+s24], $0x80, s12, s24, $0xb8;
	[tilespmem:$0x1E800] =	vst v63  }
0xb4: {  	_ =	swait.ge [sflag:s28], $0x4000  }
0xb5: {  	[sflag:s28] =	ssyncset.done $0x0  }
0xb6: {  	s13 =	sadd.s32 $0x1480, s3;
	[sflag:s28] =	ssyncadd.s32 $0xFFFFC000  }
0xb7: {  	[spmem:s1] =	stream.indirect.scatter.add.f32 [tilespmem:s25], [sflag:$0x3], $0x80, s13, s24, $0xb8;
	[tilespmem:$0x1E800] =	vst v63  }
0xb8: {  	_ =	swait.ge [sflag:s22], $0x4000  }
0xb9: {  	[sflag:s22] =	ssyncset.done $0x0  }
0xba: {  	[sflag:s22] =	ssyncadd.s32 $0xFFFFC000  }
0xbb: {  	[tilespmem:s25], [sflag:$0x2] =	stream.indirect.gather [hbm4b:s4+s24], $0x80, s29, s24, $0xb8;
	[tilespmem:$0x1E800] =	vst v63  }
0xbc: {  	_ =	swait.ge [sflag:s26], $0x4000  }
0xbd: {  	[sflag:s26] =	ssyncset.done $0x0  }
0xbe: {  	[sflag:s26] =	ssyncadd.s32 $0xFFFFC000  }
0xbf: {  	[spmem:s1] =	stream.indirect.scatter.add.f32 [tilespmem:s21], [sflag:$0x3], $0x80, s30, s24, $0xb8;
	[tilespmem:$0x1E800] =	vst v63  }
0xc0: {  	_ =	swait.ge [sflag:s22], $0x4000  }
0xc1: {  	[sflag:s22] =	ssyncset.done $0x0  }
0xc2: {  	[sflag:s22] =	ssyncadd.s32 $0xFFFFC000  }
0xc3: {  	_ =	swait.ge [sflag:s28], $0x4000  }
0xc4: {  	[sflag:s28] =	ssyncset.done $0x0  }
0xc5: {  	[sflag:s28] =	ssyncadd.s32 $0xFFFFC000  }
0xc6: {  	[spmem:s1] =	stream.indirect.scatter.add.f32 [tilespmem:s25], [sflag:$0x3], $0x80, s31, s24, $0xb8;
	[tilespmem:$0x1E800] =	vst v63  }
0xc7: {  	_ =	swait.ge [sflag:s22], $0x4000  }
0xc8: {  	[sflag:s22] =	ssyncset.done $0x0  }
0xc9: {  	[sflag:s22] =	ssyncadd.s32 $0xFFFFC000  }
0xca: {  	[bflag:$0x0] =	sbarrier.arrive $0xFFFF  }
0xcb: {  	[tilespmem:s21], [sflag:$0x3] =	stream.linear.gather [spmem:s6], $0x4000, $0x38;
	[tilespmem:$0x1E800] =	vst v63  }
0xcc: {  	_ =	swait.ge [sflag:s22], $0x4000  }
0xcd: {  	[sflag:s22] =	ssyncset.done $0x0  }
0xce: {  	[sflag:s22] =	ssyncadd.s32 $0xFFFFC000  }
0xcf: {  	[hbm4b:s15+s2] =	stream.linear.scatter [tilespmem:s21], [sflag:$0x3], $0x4000, $0x38;
	[tilespmem:$0x1E800] =	vst v63  }
0xd0: {  	_ =	swait.ge [sflag:s22], $0x4000  }
0xd1: {  	[sflag:s22] =	ssyncset.done $0x0  }
0xd2: {  	[sflag:s22] =	ssyncadd.s32 $0xFFFFC000  }
0xd3: {  	[tilespmem:s21], [sflag:$0x3] =	stream.linear.gather [spmem:s7], $0x4000, $0x38;
	[tilespmem:$0x1E800] =	vst v63  }
0xd4: {  	_ =	swait.ge [sflag:s22], $0x4000  }
0xd5: {  	[sflag:s22] =	ssyncset.done $0x0  }
0xd6: {  	[sflag:s22] =	ssyncadd.s32 $0xFFFFC000  }
0xd7: {  	[hbm4b:s16+s2] =	stream.linear.scatter [tilespmem:s21], [sflag:$0x3], $0x4000, $0x38;
	[tilespmem:$0x1E800] =	vst v63  }
0xd8: {  	_ =	swait.ge [sflag:s22], $0x4000  }
0xd9: {  	[sflag:s22] =	ssyncset.done $0x0  }
0xda: {  	[sflag:s22] =	ssyncadd.s32 $0xFFFFC000  }
0xdb: {  	[tilespmem:s21], [sflag:$0x3] =	stream.linear.gather [spmem:s8], $0x4000, $0x38;
	[tilespmem:$0x1E800] =	vst v63  }
0xdc: {  	_ =	swait.ge [sflag:s22], $0x4000  }
0xdd: {  	[sflag:s22] =	ssyncset.done $0x0  }
0xde: {  	[sflag:s22] =	ssyncadd.s32 $0xFFFFC000  }
0xdf: {  	[hbm4b:s17+s2] =	stream.linear.scatter [tilespmem:s21], [sflag:$0x3], $0x4000, $0x38;
	[tilespmem:$0x1E800] =	vst v63  }
0xe0: {  	_ =	swait.ge [sflag:s22], $0x4000  }
0xe1: {  	[sflag:s22] =	ssyncset.done $0x0  }
0xe2: {  	[sflag:s22] =	ssyncadd.s32 $0xFFFFC000  }
0xe3: {  	[tilespmem:s21], [sflag:$0x3] =	stream.linear.gather [spmem:s9], $0x4000, $0x38;
	[tilespmem:$0x1E800] =	vst v63  }
0xe4: {  	_ =	swait.ge [sflag:s22], $0x4000  }
0xe5: {  	[sflag:s22] =	ssyncset.done $0x0  }
0xe6: {  	[sflag:s22] =	ssyncadd.s32 $0xFFFFC000  }
0xe7: {  	[hbm4b:s18+s2] =	stream.linear.scatter [tilespmem:s21], [sflag:$0x3], $0x4000, $0x38;
	[tilespmem:$0x1E800] =	vst v63  }
0xe8: {  	_ =	swait.ge [sflag:s22], $0x4000  }
0xe9: {  	[sflag:s22] =	ssyncset.done $0x0  }
0xea: {  	[sflag:s22] =	ssyncadd.s32 $0xFFFFC000  }
0xeb: {  	[tilespmem:s21], [sflag:$0x3] =	stream.linear.gather [spmem:s10], $0x4000, $0x38;
	[tilespmem:$0x1E800] =	vst v63  }
0xec: {  	s0 =	sadd.s32 $0x1, s0;
	_ =	swait.ge [sflag:s22], $0x4000  }
0xed: {  	p0 =	sne.s32 s0, s20;
	[sflag:s22] =	ssyncset.done $0x0  }
.Ltmp2:
0xee: {  	[sflag:s22] =	ssyncadd.s32 $0xFFFFC000;
	(pc) =	sbr.rel @p0 .LBB2_1-.Ltmp2, $4  }
0xef: {  	[hbm4b:s19+s2] =	stream.linear.scatter [tilespmem:s21], [sflag:$0x3], $0x4000, $0x38;
	[tilespmem:$0x1E800] =	vst v63  }
0xf0: {  	_ =	swait.ge [sflag:s22], $0x4000  }
0xf1: {  	[sflag:s22] =	ssyncset.done $0x0  }
0xf2: {  	[sflag:s22] =	ssyncadd.s32 $0xFFFFC000  }
0xf3: {  	_ =	sfence.sel $0x180000  }
0xf4: {  	[bflag:$0x0] =	sbarrier.arrive $0xFFFF  }
0xf5: {  	_ =	strace $0x9000004D  }
0xf6: {  	s0 =	stileid.u32;
	[bflag:$0x2] =	sbarrier.arrive $0xFFFF  }
0xf7: {  	p0 =	sne.s32 s0, $0x0;
	s0 =	rddreg [dreg:$0x3]  }
0xf8: {  	s0 =	sadd.s32 @!p0 $0x100000, s0  }
0xf9: {  	[sflag:s0] =	ssyncadd.tile.s32 @!p0 $0x1;
	_ =	shalt  }
.Lfunc_end2:
_tile_overlayer_lowered:
.L_overlay_start_2:
0xfa: {  	(tag) =	ssettag $0x2  }
0xfb: {  	s0 =	rddreg [dreg:$0x0];
	s2 =	stileid.u32  }
0xfc: {  	s1 =	rddreg [dreg:$0x1];
	p0 =	sne.s32 s2, $0x0  }
0xfd: {  	s3 =	rddreg [dreg:$0x2];
	[bflag:$0x3] =	sbarrier.arrive $0xFFFF;
	s2 =	simm.s32 @!p0 $0x1C03  }
0xfe: {  	[timem:s3], [sflag:s2] =	dma.local @!p0 [hbm:s0], s1  }
0xff: {  	s0 =	simm.s32 @!p0 $0x3  }
0x100: {  	_ =	swait.ge @!p0 [sflag:s0], s1  }
0x101: {  	s1 =	ssub.s32 @!p0 $0x0, s1;
	[sflag:s0] =	ssyncset.done @!p0 $0x0  }
0x102: {  	[sflag:s0] =	ssyncadd.s32 @!p0 s1  }
0x103: {  	[bflag:$0x3] =	sbarrier.arrive $0xFFFF  }
0x104: {  	_ =	shalt  }

// kernel: kernel.8.cloned.1.call-start
scs
__scs_entry_jumppad:
0x0: {  	(pc) =	sbr.rel $0x88, $3  }
0x1: {  	(tag) =	ssettag $0x0;
	lr =	simm.s32 $0x1  }
0x2: {  	[smem:$0x3F99] =	sst lr;
	_ =	strace $0xD0000000  }
0x3: {  	_ = 	snop  }
0x4: {  	_ = 	snop  }
0x5: {  	_ = 	snop  }
0x6: {  	_ = 	snop  }
0x7: {  	_ = 	snop  }
__scs_overlays_trampoline_lowered:
0x8: {  	[smem:$0x3FA8] =	sst s0  }
0x9: {  	[smem:$0x3FA9] =	sst s1  }
0xa: {  	[smem:$0x3FAA] =	sst s2  }
0xb: {  	[smem:$0x3FAB] =	sst s3  }
0xc: {  	[smem:$0x3FAC] =	sst s4  }
0xd: {  	[smem:$0x3FAD] =	sst s5  }
0xe: {  	[smem:$0x3FAE] =	sst s6  }
0xf: {  	[smem:$0x3FAF] =	sst s7  }
0x10: {  	[smem:$0x3FB0] =	sst s8  }
0x11: {  	[smem:$0x3FB1] =	sst s9;
	s0 =	simm.s32 @!p0 $0x0  }
0x12: {  	s1 =	sld [smem:$0x3F97];
	s0 =	simm.s32 @p0 $0x1  }
0x13: {  	[smem:$0x3FB2] =	sst s0;
	s0 =	simm.s32 @!p1 $0x0  }
0x14: {  	s2 =	sld [smem:$0x3F96];
	s0 =	simm.s32 @p1 $0x1  }
0x15: {  	[smem:$0x3FB3] =	sst s0;
	s0 =	simm.s32 @!p2 $0x0  }
0x16: {  	s3 =	sld [smem:$0x3FDB];
	s0 =	simm.s32 @p2 $0x1  }
0x17: {  	s4 =	simm.s32 $0x1BF5;
	[smem:$0x3FB5] =	sst s0  }
0x18: {  	s0 =	sld [smem:$0x3F98];
	_ =	swait.ge [sflag:s4], $0x0  }
0x19: {  	s7 =	sld [smem:$0x3F99]  }
0x1a: {  	s8 =	sadd.s32 $0xFFFFE003, lr  }
0x1b: {  	s9 =	sadd.s32 $0xFFFFFEF7, lr;
	s5 =	simm.s32 $0xFFFFFFFF;
	p2 =	slt.u32 s8, $0xFFFFF086  }
0x1c: {  	p1 =	slt.u32 s9, $0xF7A;
	s5 =	simm.s32 @!p2 $0x0  }
0x1d: {  	s5 =	simm.s32 @p1 $0x1;
	p0 =	seq.s32 s7, s2  }
0x1e: {  	s7 =	smul.u32 @!p0 $0xF7A, s2;
	p2 =	seq.s32 @!p0 s5, $0x0  }
0x1f: {  	s9 =	smul.u32 $0xF7A, s1;
	s8 =	simm.s32 @!p0 $0x1BF5;
	p2 =	por !p2, p0  }
0x20: {  	[sflag:s8] =	ssyncset.s32 @!p0 $0xFFFFF086;
	s6 =	sadd.s32 @!p0 s3, s7;
	s7 =	simm.s32 @!p0 $0x108  }
0x21: {  	s3 =	sadd.s32 s3, s9;
	s6 =	sadd.s32 @!p0 $0x88, s6;
	s7 =	simm.s32 @p2 $0x1082  }
0x22: {  	[simem:s7], [sflag:s8] =	dma.local @!p0 [hbm:s6], $0xF7A  }
0x23: {  	s9 =	sor.u32 $0xD0000000, s2;
	s6 =	simm.s32 $0x108;
	_ =	swait.ge @!p0 [sflag:s8], $0x0  }
0x24: {  	s3 =	sadd.s32 $0x88, s3;
	s6 =	simm.s32 @!p1 $0x1082;
	[sflag:s4] =	ssyncset.s32 $0xFFFFF086  }
0x25: {  	[simem:s6], [sflag:s4] =	dma.local [hbm:s3], $0xF7A  }
0x26: {  	[smem:$0x3F99] =	sst s1;
	(tag) =	ssettag s2;
	_ =	strace s9  }
0x27: {  	s1 =	sld [smem:$0x3FA9]  }
0x28: {  	s2 =	sld [smem:$0x3FAA]  }
0x29: {  	s4 =	sld [smem:$0x3FAC]  }
0x2a: {  	p0 =	seq.s32 s5, $0x0;
	s5 =	sld [smem:$0x3FAD]  }
0x2b: {  	s6 =	sld [smem:$0x3FAE]  }
0x2c: {  	s7 =	sld [smem:$0x3FAF]  }
0x2d: {  	s3 =	simm.s32 $0x108;
	s8 =	sld [smem:$0x3FB0]  }
0x2e: {  	s3 =	simm.s32 @!p0 $0x1082;
	s9 =	sld [smem:$0x3FB1]  }
0x2f: {  	lr =	sadd.s32 s0, s3;
	s0 =	sld [smem:$0x3FA8]  }
0x30: {  	s3 =	sld [smem:$0x3FAB]  }
0x31: {  	[smem:$0x3FB4] =	sst s10  }
0x32: {  	s10 =	sld [smem:$0x3FB2];
	_ =	sdelay $0x3  }
0x33: {  	p0 =	seq.s32 s10, $0x1;
	s10 =	sld [smem:$0x3FB4];
	_ =	sdelay $0x3  }
0x34: {  	[smem:$0x3FB4] =	sst s10  }
0x35: {  	s10 =	sld [smem:$0x3FB3];
	_ =	sdelay $0x3  }
0x36: {  	p1 =	seq.s32 s10, $0x1;
	s10 =	sld [smem:$0x3FB4];
	_ =	sdelay $0x3  }
0x37: {  	[smem:$0x3FB4] =	sst s10  }
0x38: {  	s10 =	sld [smem:$0x3FB5]  }
0x39: {  	_ = 	snop;
	(pc) =	sbr.ind lr, $3  }
0x3a: {  	_ = 	snop  }
0x3b: {  	_ = 	snop  }
0x3c: {  	p2 =	seq.s32 s10, $0x1;
	s10 =	sld [smem:$0x3FB4]  }
0x3d: {  	_ =	shalt  }
0x3e: {  	_ =	shalt  }
0x3f: {  	_ =	shalt  }
0x40: {  	_ =	shalt  }
0x41: {  	_ =	shalt  }
0x42: {  	_ =	shalt  }
0x43: {  	_ =	shalt  }
0x44: {  	_ =	shalt  }
0x45: {  	_ =	shalt  }
0x46: {  	_ =	shalt  }
0x47: {  	_ =	shalt  }
0x48: {  	_ =	shalt  }
0x49: {  	_ =	shalt  }
0x4a: {  	_ =	shalt  }
0x4b: {  	_ =	shalt  }
0x4c: {  	_ =	shalt  }
0x4d: {  	_ =	shalt  }
0x4e: {  	_ =	shalt  }
0x4f: {  	_ =	shalt  }
0x50: {  	_ =	shalt  }
0x51: {  	_ =	shalt  }
0x52: {  	_ =	shalt  }
0x53: {  	_ =	shalt  }
0x54: {  	_ =	shalt  }
0x55: {  	_ =	shalt  }
0x56: {  	_ =	shalt  }
0x57: {  	_ =	shalt  }
0x58: {  	_ =	shalt  }
0x59: {  	_ =	shalt  }
0x5a: {  	_ =	shalt  }
0x5b: {  	_ =	shalt  }
0x5c: {  	_ =	shalt  }
0x5d: {  	_ =	shalt  }
0x5e: {  	_ =	shalt  }
0x5f: {  	_ =	shalt  }
0x60: {  	_ =	shalt  }
0x61: {  	_ =	shalt  }
0x62: {  	_ =	shalt  }
0x63: {  	_ =	shalt  }
0x64: {  	_ =	shalt  }
0x65: {  	_ =	shalt  }
0x66: {  	_ =	shalt  }
0x67: {  	_ =	shalt  }
0x68: {  	_ =	shalt  }
0x69: {  	_ =	shalt  }
0x6a: {  	_ =	shalt  }
0x6b: {  	_ =	shalt  }
0x6c: {  	_ =	shalt  }
0x6d: {  	_ =	shalt  }
0x6e: {  	_ =	shalt  }
0x6f: {  	_ =	shalt  }
0x70: {  	_ =	shalt  }
0x71: {  	_ =	shalt  }
0x72: {  	_ =	shalt  }
0x73: {  	_ =	shalt  }
0x74: {  	_ =	shalt  }
0x75: {  	_ =	shalt  }
0x76: {  	_ =	shalt  }
0x77: {  	_ =	shalt  }
0x78: {  	_ =	shalt  }
0x79: {  	_ =	shalt  }
0x7a: {  	_ =	shalt  }
0x7b: {  	_ =	shalt  }
0x7c: {  	_ =	shalt  }
0x7d: {  	_ =	shalt  }
0x7e: {  	_ =	shalt  }
0x7f: {  	_ =	shalt  }
0x80: {  	_ =	shalt  }
0x81: {  	_ =	shalt  }
0x82: {  	_ =	shalt  }
0x83: {  	_ =	shalt  }
0x84: {  	_ =	shalt  }
0x85: {  	_ =	shalt  }
0x86: {  	_ =	shalt  }
0x87: {  	_ =	shalt  }
.Lfunc_end0:
.L_simem_size_0:
called_computation_lowered:
.L_overlay_start_0:
0x88: {  	s2 =	sld [smem:$0x3FD9]  }
0x89: {  	s3 =	sld [smem:$0x3FFE];
	_ =	sdelay $0x1  }
0x8a: {  	s1 =	srdreg.scid  }
0x8b: {  	s0 =	sand.u32 $0x1, s1  }
0x8c: {  	s17 =	sshll.u32 s0, $0xA;
	s2 =	sadd.s32 s3, s2  }
0x8d: {  	s2 =	sadd.s32 s2, s17  }
0x8e: {  	[smem:$0x3FC0] =	sst s2  }
0x8f: {  	_ = 	snop  }
0x90: {  	s18 =	sld [smem:$0x3FC9];
	(tm) =	ssettm $0x1  }
0x91: {  	s19 =	sld [smem:$0x3FFB];
	_ =	sdelay $0x3  }
0x92: {  	_ =	strace s19  }
0x93: {  	s2 =	sld [smem:$0x3FFC];
	_ =	sdelay $0x3  }
0x94: {  	_ =	strace s2  }
0x95: {  	s2 =	sld [smem:$0x3FFD];
	_ =	sdelay $0x3  }
0x96: {  	_ =	strace s2  }
0x97: {  	_ =	strace $0x8FFFFFFF  }
0x98: {  	s20 =	sld [smem:$0x3FDB];
	_ =	sdelay $0x1  }
0x99: {  	s4 =	simm.s32 $_scs_section_size  }
0x9a: {  	s5 =	simm.s32 $_size__tile_overlayer_lowered;
	s6 =	simm.s32 $_tile_overlayer_lowered  }
0x9b: {  	s7 =	simm.s32 $0x1BFF;
	s21 =	sshll.u32 s6, $0x1;
	s4 =	sadd.s32 s4, s20  }
0x9c: {  	s22 =	simm.s32 $0x0;
	s5 =	sshll.u32 s5, $0x1;
	s6 =	sadd.s32 s21, s4  }
0x9d: {  	[timem:s22], [sflag:s7] =	dma.local [hbm:s6], s5  }
0x9e: {  	_ =	swait.ge [sflag:s7], s5  }
0x9f: {  	s5 =	ssub.s32 $0x0, s5;
	[sflag:s7] =	ssyncset.done $0x0  }
0xa0: {  	[sflag:s7] =	ssyncadd.s32 s5;
	_ =	sdelay $0x1  }
0xa1: {  	s23 =	simm.s32 $0x1B8B  }
0xa2: {  	_ =	swait.ge [sflag:s23], $0x1  }
0xa3: {  	[sflag:s23] =	ssyncset.done $0x0  }
0xa4: {  	[sflag:s23] =	ssyncadd.s32 $0xFFFFFFFF  }
0xa5: {  	s5 =	sld [smem:$0x0]  }
0xa6: {  	s6 =	sand.u32 $0xFFFFFFFE, s1  }
0xa7: {  	p0 =	sne.s32 s1, s6  }
0xa8: {  	s6 =	sshll.u32 @p0 s6, $0xE  }
0xa9: {  	s6 =	sadd.s32 @p0 $0x11B8D, s6;
	s7 =	sshll.u32 @p0 s5, $0x11  }
0xaa: {  	s6 =	sor.u32 @p0 s7, s6  }
0xab: {  	[sflag:s6] =	ssyncadd.remote.s32 @p0 $0x1;
	_ =	sdelay $0x1  }
0xac: {  	s6 =	simm.s32 @p0 $0x1B8D  }
0xad: {  	_ =	swait.eq @p0 [sflag:s6], $0x1  }
0xae: {  	[sflag:s6] =	ssyncadd.s32 @p0 $0xFFFFFFFF  }
0xaf: {  	s7 =	sshll.u32 @!p0 s1, $0xE  }
0xb0: {  	s7 =	sor.u32 @!p0 $0x4000, s7;
	s6 =	simm.s32 @!p0 $0x1B8D  }
0xb1: {  	s5 =	sshll.u32 @!p0 s5, $0x11;
	s7 =	sadd.s32 @!p0 $0x11B8D, s7;
	_ =	swait.eq @!p0 [sflag:s6], $0x1  }
0xb2: {  	s5 =	sor.u32 @!p0 s5, s7;
	[sflag:s6] =	ssyncadd.s32 @!p0 $0xFFFFFFFF  }
0xb3: {  	s25 =	simm.s32 $0x1B8E;
	s24 =	sld [smem:$0x3FFE];
	[sflag:s5] =	ssyncadd.remote.s32 @!p0 $0x1  }
0xb4: {  	s26 =	simm.s32 $execute0_lowered;
	[smem:$0x3FD2] =	sst s25  }
0xb5: {  	s6 =	sshll.u32 s26, $0x1;
	_ =	strace $0x80000049;
	[dreg:$0x1] =	wrdreg $0xFFFFFFFF  }
0xb6: {  	s28 =	simm.s32 $_size_execute0_lowered;
	s4 =	sadd.s32 s4, s6;
	[dreg:$0x0] =	wrdreg $0x0  }
0xb7: {  	s6 =	sshll.u32 s28, $0x1;
	[dreg:$0x2] =	wrdreg s4  }
0xb8: {  	[dreg:$0x3] =	wrdreg s6  }
0xb9: {  	[dreg:$0x4] =	wrdreg $0xC0  }
0xba: {  	_ =	task [dreg:s22], $0x5FFFF  }
0xbb: {  	[dreg:$0x1] =	wrdreg $0xFFFFFFFF  }
0xbc: {  	[dreg:$0x0] =	wrdreg $0x60  }
0xbd: {  	[dreg:$0x2] =	wrdreg s18  }
0xbe: {  	[dreg:$0x3] =	wrdreg s24  }
0xbf: {  	[dreg:$0x4] =	wrdreg $0x9  }
0xc0: {  	_ =	task.clear_ibuf [dreg:s22], $0x5FFFF;
	_ =	strace $0x90000049  }
0xc1: {  	s29 =	simm.s32 $0x9;
	_ =	strace $0x8000004B  }
0xc2: {  	_ =	swait.ge [sflag:s29], $0x1  }
0xc3: {  	[sflag:s29] =	ssyncadd.s32 $0xFFFFFFFF  }
0xc4: {  	_ =	strace $0x9000004B  }
0xc5: {  	_ =	sfence  }
0xc6: {  	s30 =	sld [smem:$0x0];
	_ =	sdelay $0x2  }
0xc7: {  	s31 =	sshll.u32 s1, $0xD;
	s1 =	sshrl.u32 s1, $0x2  }
0xc8: {  	s4 =	sand.u32 $0x4000, s31;
	s1 =	sadd.s32 s1, s30  }
0xc9: {  	s0 =	sor.u32 s4, s0;
	s1 =	sshll.u32 s1, $0x11  }
0xca: {  	s0 =	sor.u32 s1, s0  }
0xcb: {  	s0 =	sadd.s32 $0x8F2B, s0  }
0xcc: {  	[sflag:s0] =	ssyncadd.remote.s32 $0x1  }
0xcd: {  	_ =	sfence.sel $0xFFFF  }
0xce: {  	[dreg:$0x0] =	wrdreg $0xFFFFFFFF;
	(pc) =	sbr.abs _section_cstart, $3  }
0xcf: {  	[dreg:$0x1] =	wrdreg $0xFFFFFFFF  }
0xd0: {  	_ =	task.clear_ibuf [dreg:s22], $0x2FFFF;
	_ =	strace $0x9FFFFFFF  }
0xd1: {  	(tm) =	ssettm $0x7FFFFFFF  }
tec
execute0_lowered:
.L_overlay_start_1:
0x0: {  	(tag) =	ssettag $0x1  }
0x1: {  	s1 =	srdreg.scid  }
0x2: {  	s0 =	stileid.u32;
	s6 =	sand.u32 $0x1, s1  }
0x3: {  	s2 =	rddreg [dreg:$0x0];
	s30 =	sshll.u32 s0, $0x4;
	s3 =	sshll.u32 s6, $0x3  }
0x4: {  	s8 =	rddreg [dreg:$0x1];
	s9 =	sor.u32 s3, s30  }
0x5: {  	s1 =	rddreg [dreg:$0x2];
	s3 =	simm.s32 $0x0;
	s4 =	sshrl.u32 s9, $0x3  }
0x6: {  	[smem:$0x7FF] =	sst s3;
	s4 =	sadd.s32 s4, s8  }
0x7: {  	_ =	strace $0x8000004A;
	s5 =	sadd.s32 $0x7A00, s4;
	s4 =	simm.s32 $0x2  }
0x8: {  	[tilespmem:s3], [sflag:$0x2] =	stream.linear.gather [hbm4b:s5+s3], $0x8, $0x38;
	[tilespmem:$0x880] =	vst v63  }
0x9: {  	_ =	swait.ge [sflag:s4], $0x8  }
0xa: {  	[sflag:s4] =	ssyncset.done $0x0  }
0xb: {  	[sflag:s4] =	ssyncadd.s32 $0xFFFFFFF8  }
0xc: {  	v0 =	vld.msk [tilespmem:$0x0], $0xff;
	_ =	sdelay $0x4  }
0xd: {  	v1 =	vshll.u32 v0, $0x1  }
0xe: {  	v2 =	vlaneseq.u32;
	v3 =	vand.u32 $0x7, v0;
	v1 =	vand.u32 $0xFFFFFFF0, v1  }
0xf: {  	v0 =	vand.u32 $0x7, v2;
	v2 =	vshrl.u32 v2, $0x3;
	v3 =	vor.u32 v3, v1  }
0x10: {  	v1 =	vmul.u32 $0x8, v2;
	v2 =	vperm.xlane v3, v0;
	_ =	sdelay $0x1  }
0x11: {  	v2 =	vadd.s32 v1, v2  }
0x12: {  	s10 =	ssub.s32 $0x2, s6  }
0x13: {  	s11 =	sshrl.u32 s10, $0x1  }
0x14: {  	s7 =	simm.s32 $0x1;
	s9 =	sshll.u32 s9, $0x5;
	s31 =	ssub.s32 s10, s11  }
0x15: {  	vm0 =	vmmov $0xffff;
	s6 =	simm.s32 $0x80;
	s8 =	sadd.s32 s9, s8;
	s9 =	smax.u32 s31, $0x1  }
0x16: {  	[tilespmem:s6], [sflag:$0x1] =	stream.indirect_vreg.gather [hbm4b:s2+s3], $0x80, v2, vm0, $0xb8;
	[tilespmem:$0x880] =	vst v63  }
0x17: {  	p0 =	sne.s32 s9, $0x1;
	_ =	swait.ge [sflag:s7], $0x800  }
.Ltmp0:
0x18: {  	[sflag:s7] =	ssyncset.done $0x0;
	(pc) =	sbr.rel @!p0 .LBB2_2-.Ltmp0, $4  }
0x19: {  	s8 =	sadd.s32 $0x7C00, s8;
	[sflag:s7] =	ssyncadd.s32 $0xFFFFF800  }
0x1a: {  	[hbm4b:s8+s3] =	stream.linear.scatter [tilespmem:s6], [sflag:$0x2], $0x800, $0x38;
	[tilespmem:$0x880] =	vst v63  }
0x1b: {  	_ =	swait.ge [sflag:s4], $0x800  }
0x1c: {  	s9 =	sadd.s32 $0xFFFFFFFF, s9;
	[sflag:s4] =	ssyncset.done $0x0  }
.LBB2_1:
0x1d: {  	p0 =	sne.s32 s9, $0x1;
	s9 =	sadd.s32 $0xFFFFFFFF, s9;
	[sflag:s4] =	ssyncadd.s32 $0xFFFFF800  }
0x1e: {  	[tilespmem:s3], [sflag:$0x2] =	stream.linear.gather [hbm4b:s5+s3], $0x8, $0x38;
	[tilespmem:$0x880] =	vst v63  }
0x1f: {  	_ =	swait.ge [sflag:s4], $0x8  }
0x20: {  	[sflag:s4] =	ssyncset.done $0x0  }
0x21: {  	[sflag:s4] =	ssyncadd.s32 $0xFFFFFFF8  }
0x22: {  	v2 =	vld.msk [tilespmem:$0x0], $0xff;
	_ =	sdelay $0x4  }
0x23: {  	v3 =	vshll.u32 v2, $0x1  }
0x24: {  	v2 =	vand.u32 $0x7, v2;
	v3 =	vand.u32 $0xFFFFFFF0, v3  }
0x25: {  	v2 =	vor.u32 v2, v3  }
0x26: {  	v2 =	vperm.xlane v2, v0;
	_ =	sdelay $0x1  }
0x27: {  	v2 =	vadd.s32 v1, v2;
	_ =	sdelay $0x4  }
0x28: {  	[tilespmem:s6], [sflag:$0x1] =	stream.indirect_vreg.gather [hbm4b:s2+s3], $0x80, v2, vm0, $0xb8;
	[tilespmem:$0x880] =	vst v63  }
0x29: {  	_ =	swait.ge [sflag:s7], $0x800  }
.Ltmp1:
0x2a: {  	[sflag:s7] =	ssyncset.done $0x0;
	(pc) =	sbr.rel @p0 .LBB2_1-.Ltmp1, $4  }
0x2b: {  	[sflag:s7] =	ssyncadd.s32 $0xFFFFF800  }
0x2c: {  	[hbm4b:s8+s3] =	stream.linear.scatter [tilespmem:s6], [sflag:$0x2], $0x800, $0x38;
	[tilespmem:$0x880] =	vst v63  }
0x2d: {  	_ =	swait.ge [sflag:s4], $0x800  }
0x2e: {  	[sflag:s4] =	ssyncset.done $0x0  }
.LBB2_2:
0x2f: {  	[sflag:s4] =	ssyncadd.s32 $0xFFFFF800  }
0x30: {  	_ =	sfence.sel $0x180000  }
0x31: {  	[bflag:$0x0] =	sbarrier.arrive $0xFFFF  }
0x32: {  	p0 =	sne.s32 s0, $0x0;
	_ =	strace $0x9000004A  }
0x33: {  	s0 =	sadd.s32 @!p0 $0x100000, s1;
	[bflag:$0x2] =	sbarrier.arrive $0xFFFF  }
0x34: {  	[sflag:s0] =	ssyncadd.tile.s32 @!p0 $0x1;
	_ =	shalt  }
.Lfunc_end2:
_tile_overlayer_lowered:
.L_overlay_start_2:
0x35: {  	(tag) =	ssettag $0x2  }
0x36: {  	s0 =	rddreg [dreg:$0x0];
	s2 =	stileid.u32  }
0x37: {  	s1 =	rddreg [dreg:$0x1];
	p0 =	sne.s32 s2, $0x0  }
0x38: {  	s3 =	rddreg [dreg:$0x2];
	[bflag:$0x3] =	sbarrier.arrive $0xFFFF;
	s2 =	simm.s32 @!p0 $0x1C02  }
0x39: {  	[timem:s3], [sflag:s2] =	dma.local @!p0 [hbm:s0], s1  }
0x3a: {  	s0 =	simm.s32 @!p0 $0x2  }
0x3b: {  	_ =	swait.ge @!p0 [sflag:s0], s1  }
0x3c: {  	s1 =	ssub.s32 @!p0 $0x0, s1;
	[sflag:s0] =	ssyncset.done @!p0 $0x0  }
0x3d: {  	[sflag:s0] =	ssyncadd.s32 @!p0 s1  }
0x3e: {  	[bflag:$0x3] =	sbarrier.arrive $0xFFFF  }
0x3f: {  	_ =	shalt  }

</sc_bundles>
